<compile_context>
chip_gen: v7x
topology: tpu7x:2x2x1
jax: 0.10.2.dev20260603
libtpu: 0.0.44.dev20260713+nightly
codegen_flags: <defaults>
</compile_context>

<pallas_src>
import functools

import jax
import jax.numpy as jnp
from jax import lax
from jax.experimental import pallas as pl
from jax.experimental.pallas import tpu as pltpu
from jax.experimental.pallas import tpu_sc as plsc

_BS, _V, _NB = 2, 10000, 16
_SK, _K = 256, 128
_VB = 5120


def _sc_gather_dirs(vert_planar, idx_t):
    mesh = plsc.VectorSubcoreMesh(core_axis_name="c", subcore_axis_name="s")

    @functools.partial(
        pl.kernel,
        out_type=jax.ShapeDtypeStruct((_BS, _NB, 3, _V), jnp.float32),
        mesh=mesh,
        scratch_types=[
            [pltpu.VMEM((_V,), jnp.float32) for _ in range(3)],
            pltpu.VMEM((_V,), jnp.int32),
            pltpu.VMEM((3, _V), jnp.float32),
        ],
        compiler_params=pltpu.CompilerParams(needs_layout_passes=False),
    )
    def k(vert_hbm, idx_hbm, out_hbm, tabs, idxs, outs):
        cid = lax.axis_index("c")
        sid = lax.axis_index("s")
        w = sid * 2 + cid
        b = w // _NB
        n = w % _NB
        for c in range(3):
            pltpu.sync_copy(vert_hbm.at[pl.ds((b * 3 + c) * _V, _V)], tabs[c])
        pltpu.sync_copy(idx_hbm.at[pl.ds((b * _NB + n) * _V, _V)], idxs)

        def body(i, carry):
            for u in range(5):
                s = (i * 5 + u) * 16
                iv = idxs[pl.ds(s, 16)]
                for c in range(3):
                    g = plsc.load_gather(tabs[c], [iv])
                    outs[c, pl.ds(s, 16)] = g - tabs[c][pl.ds(s, 16)]
            return carry

        lax.fori_loop(0, _V // 80, body, 0)
        pltpu.sync_copy(outs, out_hbm.at[b, n])

    return k(vert_planar, idx_t)


def _tc_dense(dirs, w_t, dw_t):
    nblk = (_V + _VB - 1) // _VB

    def body(dirs_ref, w_ref, dw_ref, out_ref):
        wv = w_ref[...]
        wn = wv / jnp.maximum(
            jnp.sqrt(jnp.sum(wv * wv, axis=1, keepdims=True)), 1e-12
        )
        acc = None
        dist = None
        for n in range(_NB):
            a = dirs_ref[0, n]
            sq = a[0:1, :] ** 2 + a[1:2, :] ** 2 + a[2:3, :] ** 2
            nrm = jnp.sqrt(sq)
            inv = 1.0 / jnp.maximum(nrm, 1e-12)
            th = jnp.dot(
                wn.astype(jnp.bfloat16),
                (a * inv).astype(jnp.bfloat16),
                preferred_element_type=jnp.float32,
            )
            acc = th if acc is None else jnp.maximum(acc, th)
            dist = nrm if dist is None else jnp.maximum(dist, nrm)
        acc = jnp.maximum(acc, 0.0)
        dv = jnp.maximum(dw_ref[...] * dist, 0.0)
        f = acc + dv
        out_ref[0] = (f[:_K, :] + f[_K:, :]).T

    return pl.pallas_call(
        body,
        grid=(_BS, nblk),
        in_specs=[
            pl.BlockSpec((1, _NB, 3, _VB), lambda b, i: (b, 0, 0, i)),
            pl.BlockSpec((_SK, 3), lambda b, i: (0, 0)),
            pl.BlockSpec((_SK, 1), lambda b, i: (0, 0)),
        ],
        out_specs=pl.BlockSpec((1, _VB, _K), lambda b, i: (b, i, 0)),
        out_shape=jax.ShapeDtypeStruct((_BS, _V, _K), jnp.float32),
    )(dirs, w_t, dw_t)


def kernel(neighbor_index, vertices, directions, distance):
    vert_planar = vertices.transpose(0, 2, 1).reshape(-1)
    idx_t = neighbor_index.transpose(0, 2, 1).astype(jnp.int32).reshape(-1)
    dirs = _sc_gather_dirs(vert_planar, idx_t)
    return _tc_dense(dirs, directions.T, distance.T)

# --- scband reference (transcript-rebuilt; emitter-appended) ---
"""Pipeline reference for scband-conv-surface-60842506715658 (READ-ONLY COPY).

The authoritative reference and input builder live on the scoring server;
editing this copy changes nothing except your own understanding.
"""

import jax, jax.numpy as jnp
import numpy as np

BS, V, NB = 2, 10000, 16
SUPPORT, KERNEL = 2, 128


def setup_inputs(seed: int = 0) -> dict:
    key = jax.random.key(seed)
    k1, k2, k3, k4 = jax.random.split(key, 4)
    neighbor_index = jax.random.randint(k1, (BS, V, NB), 0, V)
    vertices = jax.random.normal(k2, (BS, V, 3), dtype=jnp.float32)
    stdv = 1.0 / np.sqrt(SUPPORT * KERNEL)
    directions = jax.random.uniform(k3, (3, SUPPORT * KERNEL), minval=-stdv, maxval=stdv, dtype=jnp.float32)
    distance = jax.random.uniform(k4, (1, SUPPORT * KERNEL), minval=-stdv, maxval=stdv, dtype=jnp.float32)
    return {"neighbor_index": neighbor_index, "vertices": vertices, "directions": directions, "distance": distance}


def _normalize(x, axis):
    n = jnp.linalg.norm(x, axis=axis, keepdims=True)
    return x / jnp.maximum(n, 1e-12)


def reference(neighbor_index, vertices, directions, distance):
    bs, vertice_num, neighbor_num = neighbor_index.shape
    S, K = SUPPORT, KERNEL
    id0 = jnp.arange(bs)[:, None, None]
    # gather neighbors: (bs, V, NB, 3)
    neighbors = vertices[id0, neighbor_index]
    neighbor_direction = neighbors - vertices[:, :, None, :]
    nrm = jnp.linalg.norm(neighbor_direction, axis=-1, keepdims=True)
    neighbor_direction_norm = neighbor_direction / jnp.maximum(nrm, 1e-12)
    # neighbor distance: (bs, V, NB)
    neighbor_distance = jnp.squeeze(nrm, -1)
    dist = jnp.max(neighbor_distance, axis=2).reshape(bs, vertice_num, 1)
    support_direction_norm = _normalize(directions, axis=0)
    theta = neighbor_direction_norm @ support_direction_norm  # (bs, V, NB, S*K)
    d = dist @ distance  # (bs, V, S*K)
    theta = jax.nn.relu(theta)
    d = jax.nn.relu(d)
    theta = theta.reshape(bs, vertice_num, neighbor_num, S, K)
    d = d.reshape(bs, vertice_num, S, K)
    theta = jnp.max(theta, axis=2)  # (bs, V, S, K)
    feature = jnp.sum(d + theta, axis=2)  # (bs, V, K)
    return feature

if __name__ == "__main__":
    import jax
    _d = setup_inputs()
    print(jax.jit(kernel)(*tuple(_d.values())))

</pallas_src>

<mosaic_0001>
#map = affine_map<(d0, d1) -> (0)>
#map1 = affine_map<(d0, d1) -> (0, 0, 0, 0)>
module attributes {stable_mosaic.version = 14 : i64} {
  func.func @k(%arg0: i32, %arg1: i32, %arg2: memref<60000xf32, #tpu.memory_space<hbm>>, %arg3: memref<320000xi32, #tpu.memory_space<hbm>>, %arg4: memref<2x16x3x10000xf32, #tpu.memory_space<hbm>>, %arg5: memref<10000xf32, #tpu.memory_space<vmem>>, %arg6: memref<10000xf32, #tpu.memory_space<vmem>>, %arg7: memref<10000xf32, #tpu.memory_space<vmem>>, %arg8: memref<10000xi32, #tpu.memory_space<vmem>>, %arg9: memref<3x10000xf32, #tpu.memory_space<vmem>>) attributes {dimension_semantics = [#tpu.dimension_semantics<core_parallel>, #tpu.dimension_semantics<subcore_parallel>], iteration_bounds = array<i64: 2, 16>, scalar_prefetch = 0 : i64, scratch_operands = 5 : i64, tpu.core_type = #tpu.core_type<sc_vector_subcore>, window_params = [{transform_indices = #map}, {transform_indices = #map}, {transform_indices = #map1}]} {
    %mul3A = arith.constant 2 : i32
    %mul3A_0 = arith.muli %arg1, %mul3A : i32
    %add3A = arith.addi %mul3A_0, %arg0 : i32
    %jit3A = arith.constant 16 : i32
    %div3A = arith.divsi %add3A, %jit3A : i32
    %sign3A = arith.constant 0 : i32
    %sign3A_1 = arith.cmpi sgt, %add3A, %sign3A : i32
    %sign3A_2 = arith.extui %sign3A_1 : i1 to i32
    %sign3A_3 = arith.constant 0 : i32
    %sign3A_4 = arith.cmpi slt, %add3A, %sign3A_3 : i32
    %sign3A_5 = arith.extui %sign3A_4 : i1 to i32
    %sign3A_6 = arith.subi %sign3A_2, %sign3A_5 : i32
    %sign3A_7 = arith.constant 0 : i32
    %sign3A_8 = arith.cmpi sgt, %jit3A, %sign3A_7 : i32
    %sign3A_9 = arith.extui %sign3A_8 : i1 to i32
    %sign3A_10 = arith.constant 0 : i32
    %sign3A_11 = arith.cmpi slt, %jit3A, %sign3A_10 : i32
    %sign3A_12 = arith.extui %sign3A_11 : i1 to i32
    %sign3A_13 = arith.subi %sign3A_9, %sign3A_12 : i32
    %ne3A = arith.cmpi ne, %sign3A_6, %sign3A_13 : i32
    %rem3A = arith.remsi %add3A, %jit3A : i32
    %ne3A_14 = arith.constant 0 : i32
    %ne3A_15 = arith.cmpi ne, %rem3A, %ne3A_14 : i32
    %and3A = arith.andi %ne3A, %ne3A_15 : i1
    %sub3A = arith.constant 1 : i32
    %sub3A_16 = arith.subi %div3A, %sub3A : i32
    %select_n3A = arith.select %and3A, %sub3A_16, %div3A : i32
    %jit3A_17 = arith.constant 16 : i32
    %eq3A = arith.constant 0 : i32
    %eq3A_18 = arith.cmpi eq, %jit3A_17, %eq3A : i32
    %jit3A_19 = arith.constant 1 : i32
    %select_n3A_20 = arith.select %eq3A_18, %jit3A_19, %jit3A_17 : i32
    %rem3A_21 = arith.remsi %add3A, %select_n3A_20 : i32
    %ne3A_22 = arith.constant 0 : i32
    %ne3A_23 = arith.cmpi ne, %rem3A_21, %ne3A_22 : i32
    %lt3A = arith.constant 0 : i32
    %lt3A_24 = arith.cmpi slt, %rem3A_21, %lt3A : i32
    %lt3A_25 = arith.constant 0 : i32
    %lt3A_26 = arith.cmpi slt, %select_n3A_20, %lt3A_25 : i32
    %ne3A_27 = arith.xori %lt3A_24, %lt3A_26 : i1
    %and3A_28 = arith.andi %ne3A_27, %ne3A_23 : i1
    %add3A_29 = arith.addi %rem3A_21, %select_n3A_20 : i32
    %select_n3A_30 = arith.select %and3A_28, %add3A_29, %rem3A_21 : i32
    %mul3A_31 = arith.constant 3 : i32
    %mul3A_32 = arith.muli %select_n3A, %mul3A_31 : i32
    %add3A_33 = arith.constant 0 : i32
    %add3A_34 = arith.addi %mul3A_32, %add3A_33 : i32
    %mul3A_35 = arith.constant 10000 : i32
    %mul3A_36 = arith.muli %add3A_34, %mul3A_35 : i32
    "tpu.region"() ({
      %run_scoped3A = tpu.sem_alloc : memref<!tpu.dma_semaphore, #tpu.memory_space<semaphore_mem>>
      %dma_start3A = tpu.memref_slice %arg2[%mul3A_36] : memref<60000xf32, #tpu.memory_space<hbm>> -> memref<10000xf32, #tpu.memory_space<hbm>>
      %dma_start3A_59 = tpu.memref_slice %arg2[%mul3A_36] : memref<60000xf32, #tpu.memory_space<hbm>> -> memref<10000xf32, #tpu.memory_space<hbm>>
      tpu.enqueue_dma source(%dma_start3A_59 : memref<10000xf32, #tpu.memory_space<hbm>>) target(%arg5 : memref<10000xf32, #tpu.memory_space<vmem>>) target_semaphore(%run_scoped3A : memref<!tpu.dma_semaphore, #tpu.memory_space<semaphore_mem>>)
      %dma_wait3A = tpu.memref_slice %arg2[%mul3A_36] : memref<60000xf32, #tpu.memory_space<hbm>> -> memref<10000xf32, #tpu.memory_space<hbm>>
      %dma_wait3A_60 = tpu.memref_slice %arg2[%mul3A_36] : memref<60000xf32, #tpu.memory_space<hbm>> -> memref<10000xf32, #tpu.memory_space<hbm>>
      tpu.wait_dma2 semaphore(%run_scoped3A : memref<!tpu.dma_semaphore, #tpu.memory_space<semaphore_mem>>) src(%dma_wait3A_60 : memref<10000xf32, #tpu.memory_space<hbm>>) dst(%arg5 : memref<10000xf32, #tpu.memory_space<vmem>>)
      tpu.yield
    }) : () -> ()
    %mul3A_37 = arith.constant 3 : i32
    %mul3A_38 = arith.muli %select_n3A, %mul3A_37 : i32
    %add3A_39 = arith.constant 1 : i32
    %add3A_40 = arith.addi %mul3A_38, %add3A_39 : i32
    %mul3A_41 = arith.constant 10000 : i32
    %mul3A_42 = arith.muli %add3A_40, %mul3A_41 : i32
    "tpu.region"() ({
      %run_scoped3A = tpu.sem_alloc : memref<!tpu.dma_semaphore, #tpu.memory_space<semaphore_mem>>
      %dma_start3A = tpu.memref_slice %arg2[%mul3A_42] : memref<60000xf32, #tpu.memory_space<hbm>> -> memref<10000xf32, #tpu.memory_space<hbm>>
      %dma_start3A_59 = tpu.memref_slice %arg2[%mul3A_42] : memref<60000xf32, #tpu.memory_space<hbm>> -> memref<10000xf32, #tpu.memory_space<hbm>>
      tpu.enqueue_dma source(%dma_start3A_59 : memref<10000xf32, #tpu.memory_space<hbm>>) target(%arg6 : memref<10000xf32, #tpu.memory_space<vmem>>) target_semaphore(%run_scoped3A : memref<!tpu.dma_semaphore, #tpu.memory_space<semaphore_mem>>)
      %dma_wait3A = tpu.memref_slice %arg2[%mul3A_42] : memref<60000xf32, #tpu.memory_space<hbm>> -> memref<10000xf32, #tpu.memory_space<hbm>>
      %dma_wait3A_60 = tpu.memref_slice %arg2[%mul3A_42] : memref<60000xf32, #tpu.memory_space<hbm>> -> memref<10000xf32, #tpu.memory_space<hbm>>
      tpu.wait_dma2 semaphore(%run_scoped3A : memref<!tpu.dma_semaphore, #tpu.memory_space<semaphore_mem>>) src(%dma_wait3A_60 : memref<10000xf32, #tpu.memory_space<hbm>>) dst(%arg6 : memref<10000xf32, #tpu.memory_space<vmem>>)
      tpu.yield
    }) : () -> ()
    %mul3A_43 = arith.constant 3 : i32
    %mul3A_44 = arith.muli %select_n3A, %mul3A_43 : i32
    %add3A_45 = arith.constant 2 : i32
    %add3A_46 = arith.addi %mul3A_44, %add3A_45 : i32
    %mul3A_47 = arith.constant 10000 : i32
    %mul3A_48 = arith.muli %add3A_46, %mul3A_47 : i32
    "tpu.region"() ({
      %run_scoped3A = tpu.sem_alloc : memref<!tpu.dma_semaphore, #tpu.memory_space<semaphore_mem>>
      %dma_start3A = tpu.memref_slice %arg2[%mul3A_48] : memref<60000xf32, #tpu.memory_space<hbm>> -> memref<10000xf32, #tpu.memory_space<hbm>>
      %dma_start3A_59 = tpu.memref_slice %arg2[%mul3A_48] : memref<60000xf32, #tpu.memory_space<hbm>> -> memref<10000xf32, #tpu.memory_space<hbm>>
      tpu.enqueue_dma source(%dma_start3A_59 : memref<10000xf32, #tpu.memory_space<hbm>>) target(%arg7 : memref<10000xf32, #tpu.memory_space<vmem>>) target_semaphore(%run_scoped3A : memref<!tpu.dma_semaphore, #tpu.memory_space<semaphore_mem>>)
      %dma_wait3A = tpu.memref_slice %arg2[%mul3A_48] : memref<60000xf32, #tpu.memory_space<hbm>> -> memref<10000xf32, #tpu.memory_space<hbm>>
      %dma_wait3A_60 = tpu.memref_slice %arg2[%mul3A_48] : memref<60000xf32, #tpu.memory_space<hbm>> -> memref<10000xf32, #tpu.memory_space<hbm>>
      tpu.wait_dma2 semaphore(%run_scoped3A : memref<!tpu.dma_semaphore, #tpu.memory_space<semaphore_mem>>) src(%dma_wait3A_60 : memref<10000xf32, #tpu.memory_space<hbm>>) dst(%arg7 : memref<10000xf32, #tpu.memory_space<vmem>>)
      tpu.yield
    }) : () -> ()
    %mul3A_49 = arith.constant 16 : i32
    %mul3A_50 = arith.muli %select_n3A, %mul3A_49 : i32
    %add3A_51 = arith.addi %mul3A_50, %select_n3A_30 : i32
    %mul3A_52 = arith.constant 10000 : i32
    %mul3A_53 = arith.muli %add3A_51, %mul3A_52 : i32
    "tpu.region"() ({
      %run_scoped3A = tpu.sem_alloc : memref<!tpu.dma_semaphore, #tpu.memory_space<semaphore_mem>>
      %dma_start3A = tpu.memref_slice %arg3[%mul3A_53] : memref<320000xi32, #tpu.memory_space<hbm>> -> memref<10000xi32, #tpu.memory_space<hbm>>
      %dma_start3A_59 = tpu.memref_slice %arg3[%mul3A_53] : memref<320000xi32, #tpu.memory_space<hbm>> -> memref<10000xi32, #tpu.memory_space<hbm>>
      tpu.enqueue_dma source(%dma_start3A_59 : memref<10000xi32, #tpu.memory_space<hbm>>) target(%arg8 : memref<10000xi32, #tpu.memory_space<vmem>>) target_semaphore(%run_scoped3A : memref<!tpu.dma_semaphore, #tpu.memory_space<semaphore_mem>>)
      %dma_wait3A = tpu.memref_slice %arg3[%mul3A_53] : memref<320000xi32, #tpu.memory_space<hbm>> -> memref<10000xi32, #tpu.memory_space<hbm>>
      %dma_wait3A_60 = tpu.memref_slice %arg3[%mul3A_53] : memref<320000xi32, #tpu.memory_space<hbm>> -> memref<10000xi32, #tpu.memory_space<hbm>>
      tpu.wait_dma2 semaphore(%run_scoped3A : memref<!tpu.dma_semaphore, #tpu.memory_space<semaphore_mem>>) src(%dma_wait3A_60 : memref<10000xi32, #tpu.memory_space<hbm>>) dst(%arg8 : memref<10000xi32, #tpu.memory_space<vmem>>)
      tpu.yield
    }) : () -> ()
    %scan3A = arith.constant 0 : i32
    %scan3A_54 = arith.constant 0 : i32
    %scan3A_55 = arith.constant 125 : i32
    %scan3A_56 = arith.addi %scan3A_54, %scan3A_55 : i32
    %scan3A_57 = arith.constant 1 : i32
    scf.for %scan3A_59 = %scan3A_54 to %scan3A_56 step %scan3A_57  : i32 {
      %mul3A_60 = arith.constant 5 : i32
      %mul3A_61 = arith.muli %scan3A_59, %mul3A_60 : i32
      %add3A_62 = arith.constant 0 : i32
      %add3A_63 = arith.addi %mul3A_61, %add3A_62 : i32
      %mul3A_64 = arith.constant 16 : i32
      %mul3A_65 = arith.muli %add3A_63, %mul3A_64 : i32
      %get3A = arith.index_cast %mul3A_65 : i32 to index
      %get3A_66 = tpu.vector_load %arg8[%get3A] {strides = array<i32>} : memref<10000xi32, #tpu.memory_space<vmem>>, vector<16xi32>,
      %gather3A = tpu.vector_load_idx %arg5[%get3A_66] : memref<10000xf32, #tpu.memory_space<vmem>>[vector<16xi32>], vector<16xf32>,
      %get3A_67 = arith.index_cast %mul3A_65 : i32 to index
      %get3A_68 = tpu.vector_load %arg5[%get3A_67] {strides = array<i32>} : memref<10000xf32, #tpu.memory_space<vmem>>, vector<16xf32>,
      %sub3A_69 = arith.subf %gather3A, %get3A_68 : vector<16xf32>
      %swap3A = arith.constant 0 : i32
      %swap3A_70 = arith.index_cast %swap3A : i32 to index
      %swap3A_71 = arith.index_cast %mul3A_65 : i32 to index
      %swap3A_72 = tpu.vector_load %arg9[%swap3A_70, %swap3A_71] {strides = array<i32>} : memref<3x10000xf32, #tpu.memory_space<vmem>>, vector<16xf32>,
      tpu.vector_store %arg9[%swap3A_70, %swap3A_71], %sub3A_69 {strides = array<i32>} : memref<3x10000xf32, #tpu.memory_space<vmem>>, vector<16xf32>,
      %gather3A_73 = tpu.vector_load_idx %arg6[%get3A_66] : memref<10000xf32, #tpu.memory_space<vmem>>[vector<16xi32>], vector<16xf32>,
      %get3A_74 = arith.index_cast %mul3A_65 : i32 to index
      %get3A_75 = tpu.vector_load %arg6[%get3A_74] {strides = array<i32>} : memref<10000xf32, #tpu.memory_space<vmem>>, vector<16xf32>,
      %sub3A_76 = arith.subf %gather3A_73, %get3A_75 : vector<16xf32>
      %swap3A_77 = arith.constant 1 : i32
      %swap3A_78 = arith.index_cast %swap3A_77 : i32 to index
      %swap3A_79 = arith.index_cast %mul3A_65 : i32 to index
      %swap3A_80 = tpu.vector_load %arg9[%swap3A_78, %swap3A_79] {strides = array<i32>} : memref<3x10000xf32, #tpu.memory_space<vmem>>, vector<16xf32>,
      tpu.vector_store %arg9[%swap3A_78, %swap3A_79], %sub3A_76 {strides = array<i32>} : memref<3x10000xf32, #tpu.memory_space<vmem>>, vector<16xf32>,
      %gather3A_81 = tpu.vector_load_idx %arg7[%get3A_66] : memref<10000xf32, #tpu.memory_space<vmem>>[vector<16xi32>], vector<16xf32>,
      %get3A_82 = arith.index_cast %mul3A_65 : i32 to index
      %get3A_83 = tpu.vector_load %arg7[%get3A_82] {strides = array<i32>} : memref<10000xf32, #tpu.memory_space<vmem>>, vector<16xf32>,
      %sub3A_84 = arith.subf %gather3A_81, %get3A_83 : vector<16xf32>
      %swap3A_85 = arith.constant 2 : i32
      %swap3A_86 = arith.index_cast %swap3A_85 : i32 to index
      %swap3A_87 = arith.index_cast %mul3A_65 : i32 to index
      %swap3A_88 = tpu.vector_load %arg9[%swap3A_86, %swap3A_87] {strides = array<i32>} : memref<3x10000xf32, #tpu.memory_space<vmem>>, vector<16xf32>,
      tpu.vector_store %arg9[%swap3A_86, %swap3A_87], %sub3A_84 {strides = array<i32>} : memref<3x10000xf32, #tpu.memory_space<vmem>>, vector<16xf32>,
      %mul3A_89 = arith.constant 5 : i32
      %mul3A_90 = arith.muli %scan3A_59, %mul3A_89 : i32
      %add3A_91 = arith.constant 1 : i32
      %add3A_92 = arith.addi %mul3A_90, %add3A_91 : i32
      %mul3A_93 = arith.constant 16 : i32
      %mul3A_94 = arith.muli %add3A_92, %mul3A_93 : i32
      %get3A_95 = arith.index_cast %mul3A_94 : i32 to index
      %get3A_96 = tpu.vector_load %arg8[%get3A_95] {strides = array<i32>} : memref<10000xi32, #tpu.memory_space<vmem>>, vector<16xi32>,
      %gather3A_97 = tpu.vector_load_idx %arg5[%get3A_96] : memref<10000xf32, #tpu.memory_space<vmem>>[vector<16xi32>], vector<16xf32>,
      %get3A_98 = arith.index_cast %mul3A_94 : i32 to index
      %get3A_99 = tpu.vector_load %arg5[%get3A_98] {strides = array<i32>} : memref<10000xf32, #tpu.memory_space<vmem>>, vector<16xf32>,
      %sub3A_100 = arith.subf %gather3A_97, %get3A_99 : vector<16xf32>
      %swap3A_101 = arith.constant 0 : i32
      %swap3A_102 = arith.index_cast %swap3A_101 : i32 to index
      %swap3A_103 = arith.index_cast %mul3A_94 : i32 to index
      %swap3A_104 = tpu.vector_load %arg9[%swap3A_102, %swap3A_103] {strides = array<i32>} : memref<3x10000xf32, #tpu.memory_space<vmem>>, vector<16xf32>,
      tpu.vector_store %arg9[%swap3A_102, %swap3A_103], %sub3A_100 {strides = array<i32>} : memref<3x10000xf32, #tpu.memory_space<vmem>>, vector<16xf32>,
      %gather3A_105 = tpu.vector_load_idx %arg6[%get3A_96] : memref<10000xf32, #tpu.memory_space<vmem>>[vector<16xi32>], vector<16xf32>,
      %get3A_106 = arith.index_cast %mul3A_94 : i32 to index
      %get3A_107 = tpu.vector_load %arg6[%get3A_106] {strides = array<i32>} : memref<10000xf32, #tpu.memory_space<vmem>>, vector<16xf32>,
      %sub3A_108 = arith.subf %gather3A_105, %get3A_107 : vector<16xf32>
      %swap3A_109 = arith.constant 1 : i32
      %swap3A_110 = arith.index_cast %swap3A_109 : i32 to index
      %swap3A_111 = arith.index_cast %mul3A_94 : i32 to index
      %swap3A_112 = tpu.vector_load %arg9[%swap3A_110, %swap3A_111] {strides = array<i32>} : memref<3x10000xf32, #tpu.memory_space<vmem>>, vector<16xf32>,
      tpu.vector_store %arg9[%swap3A_110, %swap3A_111], %sub3A_108 {strides = array<i32>} : memref<3x10000xf32, #tpu.memory_space<vmem>>, vector<16xf32>,
      %gather3A_113 = tpu.vector_load_idx %arg7[%get3A_96] : memref<10000xf32, #tpu.memory_space<vmem>>[vector<16xi32>], vector<16xf32>,
      %get3A_114 = arith.index_cast %mul3A_94 : i32 to index
      %get3A_115 = tpu.vector_load %arg7[%get3A_114] {strides = array<i32>} : memref<10000xf32, #tpu.memory_space<vmem>>, vector<16xf32>,
      %sub3A_116 = arith.subf %gather3A_113, %get3A_115 : vector<16xf32>
      %swap3A_117 = arith.constant 2 : i32
      %swap3A_118 = arith.index_cast %swap3A_117 : i32 to index
      %swap3A_119 = arith.index_cast %mul3A_94 : i32 to index
      %swap3A_120 = tpu.vector_load %arg9[%swap3A_118, %swap3A_119] {strides = array<i32>} : memref<3x10000xf32, #tpu.memory_space<vmem>>, vector<16xf32>,
      tpu.vector_store %arg9[%swap3A_118, %swap3A_119], %sub3A_116 {strides = array<i32>} : memref<3x10000xf32, #tpu.memory_space<vmem>>, vector<16xf32>,
      %mul3A_121 = arith.constant 5 : i32
      %mul3A_122 = arith.muli %scan3A_59, %mul3A_121 : i32
      %add3A_123 = arith.constant 2 : i32
      %add3A_124 = arith.addi %mul3A_122, %add3A_123 : i32
      %mul3A_125 = arith.constant 16 : i32
      %mul3A_126 = arith.muli %add3A_124, %mul3A_125 : i32
      %get3A_127 = arith.index_cast %mul3A_126 : i32 to index
      %get3A_128 = tpu.vector_load %arg8[%get3A_127] {strides = array<i32>} : memref<10000xi32, #tpu.memory_space<vmem>>, vector<16xi32>,
      %gather3A_129 = tpu.vector_load_idx %arg5[%get3A_128] : memref<10000xf32, #tpu.memory_space<vmem>>[vector<16xi32>], vector<16xf32>,
      %get3A_130 = arith.index_cast %mul3A_126 : i32 to index
      %get3A_131 = tpu.vector_load %arg5[%get3A_130] {strides = array<i32>} : memref<10000xf32, #tpu.memory_space<vmem>>, vector<16xf32>,
      %sub3A_132 = arith.subf %gather3A_129, %get3A_131 : vector<16xf32>
      %swap3A_133 = arith.constant 0 : i32
      %swap3A_134 = arith.index_cast %swap3A_133 : i32 to index
      %swap3A_135 = arith.index_cast %mul3A_126 : i32 to index
      %swap3A_136 = tpu.vector_load %arg9[%swap3A_134, %swap3A_135] {strides = array<i32>} : memref<3x10000xf32, #tpu.memory_space<vmem>>, vector<16xf32>,
      tpu.vector_store %arg9[%swap3A_134, %swap3A_135], %sub3A_132 {strides = array<i32>} : memref<3x10000xf32, #tpu.memory_space<vmem>>, vector<16xf32>,
      %gather3A_137 = tpu.vector_load_idx %arg6[%get3A_128] : memref<10000xf32, #tpu.memory_space<vmem>>[vector<16xi32>], vector<16xf32>,
      %get3A_138 = arith.index_cast %mul3A_126 : i32 to index
      %get3A_139 = tpu.vector_load %arg6[%get3A_138] {strides = array<i32>} : memref<10000xf32, #tpu.memory_space<vmem>>, vector<16xf32>,
      %sub3A_140 = arith.subf %gather3A_137, %get3A_139 : vector<16xf32>
      %swap3A_141 = arith.constant 1 : i32
      %swap3A_142 = arith.index_cast %swap3A_141 : i32 to index
      %swap3A_143 = arith.index_cast %mul3A_126 : i32 to index
      %swap3A_144 = tpu.vector_load %arg9[%swap3A_142, %swap3A_143] {strides = array<i32>} : memref<3x10000xf32, #tpu.memory_space<vmem>>, vector<16xf32>,
      tpu.vector_store %arg9[%swap3A_142, %swap3A_143], %sub3A_140 {strides = array<i32>} : memref<3x10000xf32, #tpu.memory_space<vmem>>, vector<16xf32>,
      %gather3A_145 = tpu.vector_load_idx %arg7[%get3A_128] : memref<10000xf32, #tpu.memory_space<vmem>>[vector<16xi32>], vector<16xf32>,
      %get3A_146 = arith.index_cast %mul3A_126 : i32 to index
      %get3A_147 = tpu.vector_load %arg7[%get3A_146] {strides = array<i32>} : memref<10000xf32, #tpu.memory_space<vmem>>, vector<16xf32>,
      %sub3A_148 = arith.subf %gather3A_145, %get3A_147 : vector<16xf32>
      %swap3A_149 = arith.constant 2 : i32
      %swap3A_150 = arith.index_cast %swap3A_149 : i32 to index
      %swap3A_151 = arith.index_cast %mul3A_126 : i32 to index
      %swap3A_152 = tpu.vector_load %arg9[%swap3A_150, %swap3A_151] {strides = array<i32>} : memref<3x10000xf32, #tpu.memory_space<vmem>>, vector<16xf32>,
      tpu.vector_store %arg9[%swap3A_150, %swap3A_151], %sub3A_148 {strides = array<i32>} : memref<3x10000xf32, #tpu.memory_space<vmem>>, vector<16xf32>,
      %mul3A_153 = arith.constant 5 : i32
      %mul3A_154 = arith.muli %scan3A_59, %mul3A_153 : i32
      %add3A_155 = arith.constant 3 : i32
      %add3A_156 = arith.addi %mul3A_154, %add3A_155 : i32
      %mul3A_157 = arith.constant 16 : i32
      %mul3A_158 = arith.muli %add3A_156, %mul3A_157 : i32
      %get3A_159 = arith.index_cast %mul3A_158 : i32 to index
      %get3A_160 = tpu.vector_load %arg8[%get3A_159] {strides = array<i32>} : memref<10000xi32, #tpu.memory_space<vmem>>, vector<16xi32>,
      %gather3A_161 = tpu.vector_load_idx %arg5[%get3A_160] : memref<10000xf32, #tpu.memory_space<vmem>>[vector<16xi32>], vector<16xf32>,
      %get3A_162 = arith.index_cast %mul3A_158 : i32 to index
      %get3A_163 = tpu.vector_load %arg5[%get3A_162] {strides = array<i32>} : memref<10000xf32, #tpu.memory_space<vmem>>, vector<16xf32>,
      %sub3A_164 = arith.subf %gather3A_161, %get3A_163 : vector<16xf32>
      %swap3A_165 = arith.constant 0 : i32
      %swap3A_166 = arith.index_cast %swap3A_165 : i32 to index
      %swap3A_167 = arith.index_cast %mul3A_158 : i32 to index
      %swap3A_168 = tpu.vector_load %arg9[%swap3A_166, %swap3A_167] {strides = array<i32>} : memref<3x10000xf32, #tpu.memory_space<vmem>>, vector<16xf32>,
      tpu.vector_store %arg9[%swap3A_166, %swap3A_167], %sub3A_164 {strides = array<i32>} : memref<3x10000xf32, #tpu.memory_space<vmem>>, vector<16xf32>,
      %gather3A_169 = tpu.vector_load_idx %arg6[%get3A_160] : memref<10000xf32, #tpu.memory_space<vmem>>[vector<16xi32>], vector<16xf32>,
      %get3A_170 = arith.index_cast %mul3A_158 : i32 to index
      %get3A_171 = tpu.vector_load %arg6[%get3A_170] {strides = array<i32>} : memref<10000xf32, #tpu.memory_space<vmem>>, vector<16xf32>,
      %sub3A_172 = arith.subf %gather3A_169, %get3A_171 : vector<16xf32>
      %swap3A_173 = arith.constant 1 : i32
      %swap3A_174 = arith.index_cast %swap3A_173 : i32 to index
      %swap3A_175 = arith.index_cast %mul3A_158 : i32 to index
      %swap3A_176 = tpu.vector_load %arg9[%swap3A_174, %swap3A_175] {strides = array<i32>} : memref<3x10000xf32, #tpu.memory_space<vmem>>, vector<16xf32>,
      tpu.vector_store %arg9[%swap3A_174, %swap3A_175], %sub3A_172 {strides = array<i32>} : memref<3x10000xf32, #tpu.memory_space<vmem>>, vector<16xf32>,
      %gather3A_177 = tpu.vector_load_idx %arg7[%get3A_160] : memref<10000xf32, #tpu.memory_space<vmem>>[vector<16xi32>], vector<16xf32>,
      %get3A_178 = arith.index_cast %mul3A_158 : i32 to index
      %get3A_179 = tpu.vector_load %arg7[%get3A_178] {strides = array<i32>} : memref<10000xf32, #tpu.memory_space<vmem>>, vector<16xf32>,
      %sub3A_180 = arith.subf %gather3A_177, %get3A_179 : vector<16xf32>
      %swap3A_181 = arith.constant 2 : i32
      %swap3A_182 = arith.index_cast %swap3A_181 : i32 to index
      %swap3A_183 = arith.index_cast %mul3A_158 : i32 to index
      %swap3A_184 = tpu.vector_load %arg9[%swap3A_182, %swap3A_183] {strides = array<i32>} : memref<3x10000xf32, #tpu.memory_space<vmem>>, vector<16xf32>,
      tpu.vector_store %arg9[%swap3A_182, %swap3A_183], %sub3A_180 {strides = array<i32>} : memref<3x10000xf32, #tpu.memory_space<vmem>>, vector<16xf32>,
      %mul3A_185 = arith.constant 5 : i32
      %mul3A_186 = arith.muli %scan3A_59, %mul3A_185 : i32
      %add3A_187 = arith.constant 4 : i32
      %add3A_188 = arith.addi %mul3A_186, %add3A_187 : i32
      %mul3A_189 = arith.constant 16 : i32
      %mul3A_190 = arith.muli %add3A_188, %mul3A_189 : i32
      %get3A_191 = arith.index_cast %mul3A_190 : i32 to index
      %get3A_192 = tpu.vector_load %arg8[%get3A_191] {strides = array<i32>} : memref<10000xi32, #tpu.memory_space<vmem>>, vector<16xi32>,
      %gather3A_193 = tpu.vector_load_idx %arg5[%get3A_192] : memref<10000xf32, #tpu.memory_space<vmem>>[vector<16xi32>], vector<16xf32>,
      %get3A_194 = arith.index_cast %mul3A_190 : i32 to index
      %get3A_195 = tpu.vector_load %arg5[%get3A_194] {strides = array<i32>} : memref<10000xf32, #tpu.memory_space<vmem>>, vector<16xf32>,
      %sub3A_196 = arith.subf %gather3A_193, %get3A_195 : vector<16xf32>
      %swap3A_197 = arith.constant 0 : i32
      %swap3A_198 = arith.index_cast %swap3A_197 : i32 to index
      %swap3A_199 = arith.index_cast %mul3A_190 : i32 to index
      %swap3A_200 = tpu.vector_load %arg9[%swap3A_198, %swap3A_199] {strides = array<i32>} : memref<3x10000xf32, #tpu.memory_space<vmem>>, vector<16xf32>,
      tpu.vector_store %arg9[%swap3A_198, %swap3A_199], %sub3A_196 {strides = array<i32>} : memref<3x10000xf32, #tpu.memory_space<vmem>>, vector<16xf32>,
      %gather3A_201 = tpu.vector_load_idx %arg6[%get3A_192] : memref<10000xf32, #tpu.memory_space<vmem>>[vector<16xi32>], vector<16xf32>,
      %get3A_202 = arith.index_cast %mul3A_190 : i32 to index
      %get3A_203 = tpu.vector_load %arg6[%get3A_202] {strides = array<i32>} : memref<10000xf32, #tpu.memory_space<vmem>>, vector<16xf32>,
      %sub3A_204 = arith.subf %gather3A_201, %get3A_203 : vector<16xf32>
      %swap3A_205 = arith.constant 1 : i32
      %swap3A_206 = arith.index_cast %swap3A_205 : i32 to index
      %swap3A_207 = arith.index_cast %mul3A_190 : i32 to index
      %swap3A_208 = tpu.vector_load %arg9[%swap3A_206, %swap3A_207] {strides = array<i32>} : memref<3x10000xf32, #tpu.memory_space<vmem>>, vector<16xf32>,
      tpu.vector_store %arg9[%swap3A_206, %swap3A_207], %sub3A_204 {strides = array<i32>} : memref<3x10000xf32, #tpu.memory_space<vmem>>, vector<16xf32>,
      %gather3A_209 = tpu.vector_load_idx %arg7[%get3A_192] : memref<10000xf32, #tpu.memory_space<vmem>>[vector<16xi32>], vector<16xf32>,
      %get3A_210 = arith.index_cast %mul3A_190 : i32 to index
      %get3A_211 = tpu.vector_load %arg7[%get3A_210] {strides = array<i32>} : memref<10000xf32, #tpu.memory_space<vmem>>, vector<16xf32>,
      %sub3A_212 = arith.subf %gather3A_209, %get3A_211 : vector<16xf32>
      %swap3A_213 = arith.constant 2 : i32
      %swap3A_214 = arith.index_cast %swap3A_213 : i32 to index
      %swap3A_215 = arith.index_cast %mul3A_190 : i32 to index
      %swap3A_216 = tpu.vector_load %arg9[%swap3A_214, %swap3A_215] {strides = array<i32>} : memref<3x10000xf32, #tpu.memory_space<vmem>>, vector<16xf32>,
      tpu.vector_store %arg9[%swap3A_214, %swap3A_215], %sub3A_212 {strides = array<i32>} : memref<3x10000xf32, #tpu.memory_space<vmem>>, vector<16xf32>,
    }
    %scan3A_58 = arith.constant 125 : i32
    "tpu.region"() ({
      %run_scoped3A = tpu.sem_alloc : memref<!tpu.dma_semaphore, #tpu.memory_space<semaphore_mem>>
      %dma_start3A = arith.constant 0 : i32
      %dma_start3A_59 = arith.constant 0 : i32
      %dma_start3A_60 = tpu.memref_slice %arg4[%select_n3A, %select_n3A_30, %dma_start3A, %dma_start3A_59] : memref<2x16x3x10000xf32, #tpu.memory_space<hbm>> -> memref<1x1x3x10000xf32, #tpu.memory_space<hbm>>
      %dma_start3A_61 = tpu.memref_squeeze %dma_start3A_60 : memref<1x1x3x10000xf32, #tpu.memory_space<hbm>> -> memref<3x10000xf32, #tpu.memory_space<hbm>>
      %dma_start3A_62 = arith.constant 0 : i32
      %dma_start3A_63 = arith.constant 0 : i32
      %dma_start3A_64 = tpu.memref_slice %arg4[%select_n3A, %select_n3A_30, %dma_start3A_62, %dma_start3A_63] : memref<2x16x3x10000xf32, #tpu.memory_space<hbm>> -> memref<1x1x3x10000xf32, #tpu.memory_space<hbm>>
      %dma_start3A_65 = tpu.memref_squeeze %dma_start3A_64 : memref<1x1x3x10000xf32, #tpu.memory_space<hbm>> -> memref<3x10000xf32, #tpu.memory_space<hbm>>
      tpu.enqueue_dma source(%arg9 : memref<3x10000xf32, #tpu.memory_space<vmem>>) target(%dma_start3A_65 : memref<3x10000xf32, #tpu.memory_space<hbm>>) target_semaphore(%run_scoped3A : memref<!tpu.dma_semaphore, #tpu.memory_space<semaphore_mem>>)
      %dma_wait3A = arith.constant 0 : i32
      %dma_wait3A_66 = arith.constant 0 : i32
      %dma_wait3A_67 = tpu.memref_slice %arg4[%select_n3A, %select_n3A_30, %dma_wait3A, %dma_wait3A_66] : memref<2x16x3x10000xf32, #tpu.memory_space<hbm>> -> memref<1x1x3x10000xf32, #tpu.memory_space<hbm>>
      %dma_wait3A_68 = tpu.memref_squeeze %dma_wait3A_67 : memref<1x1x3x10000xf32, #tpu.memory_space<hbm>> -> memref<3x10000xf32, #tpu.memory_space<hbm>>
      %dma_wait3A_69 = arith.constant 0 : i32
      %dma_wait3A_70 = arith.constant 0 : i32
      %dma_wait3A_71 = tpu.memref_slice %arg4[%select_n3A, %select_n3A_30, %dma_wait3A_69, %dma_wait3A_70] : memref<2x16x3x10000xf32, #tpu.memory_space<hbm>> -> memref<1x1x3x10000xf32, #tpu.memory_space<hbm>>
      %dma_wait3A_72 = tpu.memref_squeeze %dma_wait3A_71 : memref<1x1x3x10000xf32, #tpu.memory_space<hbm>> -> memref<3x10000xf32, #tpu.memory_space<hbm>>
      tpu.wait_dma2 semaphore(%run_scoped3A : memref<!tpu.dma_semaphore, #tpu.memory_space<semaphore_mem>>) src(%arg9 : memref<3x10000xf32, #tpu.memory_space<vmem>>) dst(%dma_wait3A_72 : memref<3x10000xf32, #tpu.memory_space<hbm>>)
      tpu.yield
    }) : () -> ()
    return
  }
}

module attributes {stable_mosaic.version = 14 : i64} {
  func.func @body(%arg0: i32, %arg1: i32, %arg2: memref<1x16x3x5120xf32, #tpu.memory_space<vmem>>, %arg3: memref<256x3xf32, #tpu.memory_space<vmem>>, %arg4: memref<256x1xf32, #tpu.memory_space<vmem>>, %arg5: memref<1x5120x128xf32, #tpu.memory_space<vmem>>) attributes {dimension_semantics = [#tpu.dimension_semantics<arbitrary>, #tpu.dimension_semantics<arbitrary>], iteration_bounds = array<i64: 2, 2>, scalar_prefetch = 0 : i64, scratch_operands = 0 : i64, tpu.core_type = #tpu.core_type<tc>, window_params = [{transform_indices = @transform_0, window_bounds = array<i64: 1, 16, 3, 5120>}, {pipeline_mode = #tpu.pipeline_mode<synchronous>, transform_indices = @transform_1, window_bounds = array<i64: 256, 3>}, {pipeline_mode = #tpu.pipeline_mode<synchronous>, transform_indices = @transform_2, window_bounds = array<i64: 256, 1>}, {transform_indices = @transform_3, window_bounds = array<i64: 1, 5120, 128>}]} {
    %get3A = arith.constant 0 : index
    %get3A_0 = arith.constant 0 : index
    %get3A_1 = vector.load %arg3[%get3A, %get3A_0] : memref<256x3xf32, #tpu.memory_space<vmem>>, vector<256x3xf32>
    %mul3A = arith.mulf %get3A_1, %get3A_1 : vector<256x3xf32>
    %reduce_sum3A = arith.constant dense<0.000000e+00> : vector<256xf32>
    %reduce_sum3A_2 = vector.multi_reduction <add>, %mul3A, %reduce_sum3A [1] : vector<256x3xf32> to vector<256xf32>
    %broadcast_in_dim3A = vector.shape_cast %reduce_sum3A_2 : vector<256xf32> to vector<256x1xf32>
    %sqrt3A = math.sqrt %broadcast_in_dim3A : vector<256x1xf32>
    %max3A = arith.constant 9.99999996E-13 : f32
    %max3A_3 = vector.broadcast %max3A : f32 to vector<256x1xf32>
    %max3A_4 = arith.maximumf %sqrt3A, %max3A_3 : vector<256x1xf32>
    %div3A = vector.broadcast %max3A_4 : vector<256x1xf32> to vector<256x3xf32>
    %div3A_5 = arith.divf %get3A_1, %div3A : vector<256x3xf32>
    %get3A_6 = arith.constant 0 : index
    %get3A_7 = arith.constant 0 : index
    %get3A_8 = arith.constant 0 : index
    %get3A_9 = arith.constant 0 : index
    %get3A_10 = vector.load %arg2[%get3A_6, %get3A_7, %get3A_8, %get3A_9] : memref<1x16x3x5120xf32, #tpu.memory_space<vmem>>, vector<1x1x3x5120xf32>
    %get3A_11 = vector.shape_cast %get3A_10 : vector<1x1x3x5120xf32> to vector<3x5120xf32>
    %slice3A = vector.extract_strided_slice %get3A_11 {offsets = [0, 0], sizes = [1, 5120], strides = [1, 1]} : vector<3x5120xf32> to vector<1x5120xf32>
    %integer_pow3A = arith.mulf %slice3A, %slice3A : vector<1x5120xf32>
    %slice3A_12 = vector.extract_strided_slice %get3A_11 {offsets = [1, 0], sizes = [1, 5120], strides = [1, 1]} : vector<3x5120xf32> to vector<1x5120xf32>
    %integer_pow3A_13 = arith.mulf %slice3A_12, %slice3A_12 : vector<1x5120xf32>
    %add3A = arith.addf %integer_pow3A, %integer_pow3A_13 : vector<1x5120xf32>
    %slice3A_14 = vector.extract_strided_slice %get3A_11 {offsets = [2, 0], sizes = [1, 5120], strides = [1, 1]} : vector<3x5120xf32> to vector<1x5120xf32>
    %integer_pow3A_15 = arith.mulf %slice3A_14, %slice3A_14 : vector<1x5120xf32>
    %add3A_16 = arith.addf %add3A, %integer_pow3A_15 : vector<1x5120xf32>
    %sqrt3A_17 = math.sqrt %add3A_16 : vector<1x5120xf32>
    %max3A_18 = arith.constant 9.99999996E-13 : f32
    %max3A_19 = vector.broadcast %max3A_18 : f32 to vector<1x5120xf32>
    %max3A_20 = arith.maximumf %sqrt3A_17, %max3A_19 : vector<1x5120xf32>
    %div3A_21 = arith.constant 1.000000e+00 : f32
    %div3A_22 = vector.broadcast %div3A_21 : f32 to vector<1x5120xf32>
    %div3A_23 = arith.divf %div3A_22, %max3A_20 : vector<1x5120xf32>
    %convert_element_type3A = arith.truncf %div3A_5 : vector<256x3xf32> to vector<256x3xbf16>
    %mul3A_24 = vector.broadcast %div3A_23 : vector<1x5120xf32> to vector<3x5120xf32>
    %mul3A_25 = arith.mulf %get3A_11, %mul3A_24 : vector<3x5120xf32>
    %convert_element_type3A_26 = arith.truncf %mul3A_25 : vector<3x5120xf32> to vector<3x5120xbf16>
    %dot_general3A = arith.constant dense<0.000000e+00> : vector<256x5120xf32>
    %dot_general3A_27 = tpu.matmul %convert_element_type3A, %convert_element_type3A_26, %dot_general3A {dimension_numbers = #tpu.dot_dimension_numbers<[1], [0], [0], [1], [0, 0, 1, 1], [], []>, transpose_lhs_hint = false} : vector<256x3xbf16>, vector<3x5120xbf16>, vector<256x5120xf32> -> vector<256x5120xf32>
    %get3A_28 = arith.constant 0 : index
    %get3A_29 = arith.constant 1 : index
    %get3A_30 = arith.constant 0 : index
    %get3A_31 = arith.constant 0 : index
    %get3A_32 = vector.load %arg2[%get3A_28, %get3A_29, %get3A_30, %get3A_31] : memref<1x16x3x5120xf32, #tpu.memory_space<vmem>>, vector<1x1x3x5120xf32>
    %get3A_33 = vector.shape_cast %get3A_32 : vector<1x1x3x5120xf32> to vector<3x5120xf32>
    %slice3A_34 = vector.extract_strided_slice %get3A_33 {offsets = [0, 0], sizes = [1, 5120], strides = [1, 1]} : vector<3x5120xf32> to vector<1x5120xf32>
    %integer_pow3A_35 = arith.mulf %slice3A_34, %slice3A_34 : vector<1x5120xf32>
    %slice3A_36 = vector.extract_strided_slice %get3A_33 {offsets = [1, 0], sizes = [1, 5120], strides = [1, 1]} : vector<3x5120xf32> to vector<1x5120xf32>
    %integer_pow3A_37 = arith.mulf %slice3A_36, %slice3A_36 : vector<1x5120xf32>
    %add3A_38 = arith.addf %integer_pow3A_35, %integer_pow3A_37 : vector<1x5120xf32>
    %slice3A_39 = vector.extract_strided_slice %get3A_33 {offsets = [2, 0], sizes = [1, 5120], strides = [1, 1]} : vector<3x5120xf32> to vector<1x5120xf32>
    %integer_pow3A_40 = arith.mulf %slice3A_39, %slice3A_39 : vector<1x5120xf32>
    %add3A_41 = arith.addf %add3A_38, %integer_pow3A_40 : vector<1x5120xf32>
    %sqrt3A_42 = math.sqrt %add3A_41 : vector<1x5120xf32>
    %max3A_43 = arith.constant 9.99999996E-13 : f32
    %max3A_44 = vector.broadcast %max3A_43 : f32 to vector<1x5120xf32>
    %max3A_45 = arith.maximumf %sqrt3A_42, %max3A_44 : vector<1x5120xf32>
    %div3A_46 = arith.constant 1.000000e+00 : f32
    %div3A_47 = vector.broadcast %div3A_46 : f32 to vector<1x5120xf32>
    %div3A_48 = arith.divf %div3A_47, %max3A_45 : vector<1x5120xf32>
    %convert_element_type3A_49 = arith.truncf %div3A_5 : vector<256x3xf32> to vector<256x3xbf16>
    %mul3A_50 = vector.broadcast %div3A_48 : vector<1x5120xf32> to vector<3x5120xf32>
    %mul3A_51 = arith.mulf %get3A_33, %mul3A_50 : vector<3x5120xf32>
    %convert_element_type3A_52 = arith.truncf %mul3A_51 : vector<3x5120xf32> to vector<3x5120xbf16>
    %dot_general3A_53 = arith.constant dense<0.000000e+00> : vector<256x5120xf32>
    %dot_general3A_54 = tpu.matmul %convert_element_type3A_49, %convert_element_type3A_52, %dot_general3A_53 {dimension_numbers = #tpu.dot_dimension_numbers<[1], [0], [0], [1], [0, 0, 1, 1], [], []>, transpose_lhs_hint = false} : vector<256x3xbf16>, vector<3x5120xbf16>, vector<256x5120xf32> -> vector<256x5120xf32>
    %max3A_55 = arith.maximumf %dot_general3A_27, %dot_general3A_54 : vector<256x5120xf32>
    %max3A_56 = arith.maximumf %sqrt3A_17, %sqrt3A_42 : vector<1x5120xf32>
    %get3A_57 = arith.constant 0 : index
    %get3A_58 = arith.constant 2 : index
    %get3A_59 = arith.constant 0 : index
    %get3A_60 = arith.constant 0 : index
    %get3A_61 = vector.load %arg2[%get3A_57, %get3A_58, %get3A_59, %get3A_60] : memref<1x16x3x5120xf32, #tpu.memory_space<vmem>>, vector<1x1x3x5120xf32>
    %get3A_62 = vector.shape_cast %get3A_61 : vector<1x1x3x5120xf32> to vector<3x5120xf32>
    %slice3A_63 = vector.extract_strided_slice %get3A_62 {offsets = [0, 0], sizes = [1, 5120], strides = [1, 1]} : vector<3x5120xf32> to vector<1x5120xf32>
    %integer_pow3A_64 = arith.mulf %slice3A_63, %slice3A_63 : vector<1x5120xf32>
    %slice3A_65 = vector.extract_strided_slice %get3A_62 {offsets = [1, 0], sizes = [1, 5120], strides = [1, 1]} : vector<3x5120xf32> to vector<1x5120xf32>
    %integer_pow3A_66 = arith.mulf %slice3A_65, %slice3A_65 : vector<1x5120xf32>
    %add3A_67 = arith.addf %integer_pow3A_64, %integer_pow3A_66 : vector<1x5120xf32>
    %slice3A_68 = vector.extract_strided_slice %get3A_62 {offsets = [2, 0], sizes = [1, 5120], strides = [1, 1]} : vector<3x5120xf32> to vector<1x5120xf32>
    %integer_pow3A_69 = arith.mulf %slice3A_68, %slice3A_68 : vector<1x5120xf32>
    %add3A_70 = arith.addf %add3A_67, %integer_pow3A_69 : vector<1x5120xf32>
    %sqrt3A_71 = math.sqrt %add3A_70 : vector<1x5120xf32>
    %max3A_72 = arith.constant 9.99999996E-13 : f32
    %max3A_73 = vector.broadcast %max3A_72 : f32 to vector<1x5120xf32>
    %max3A_74 = arith.maximumf %sqrt3A_71, %max3A_73 : vector<1x5120xf32>
    %div3A_75 = arith.constant 1.000000e+00 : f32
    %div3A_76 = vector.broadcast %div3A_75 : f32 to vector<1x5120xf32>
    %div3A_77 = arith.divf %div3A_76, %max3A_74 : vector<1x5120xf32>
    %convert_element_type3A_78 = arith.truncf %div3A_5 : vector<256x3xf32> to vector<256x3xbf16>
    %mul3A_79 = vector.broadcast %div3A_77 : vector<1x5120xf32> to vector<3x5120xf32>
    %mul3A_80 = arith.mulf %get3A_62, %mul3A_79 : vector<3x5120xf32>
    %convert_element_type3A_81 = arith.truncf %mul3A_80 : vector<3x5120xf32> to vector<3x5120xbf16>
    %dot_general3A_82 = arith.constant dense<0.000000e+00> : vector<256x5120xf32>
    %dot_general3A_83 = tpu.matmul %convert_element_type3A_78, %convert_element_type3A_81, %dot_general3A_82 {dimension_numbers = #tpu.dot_dimension_numbers<[1], [0], [0], [1], [0, 0, 1, 1], [], []>, transpose_lhs_hint = false} : vector<256x3xbf16>, vector<3x5120xbf16>, vector<256x5120xf32> -> vector<256x5120xf32>
    %max3A_84 = arith.maximumf %max3A_55, %dot_general3A_83 : vector<256x5120xf32>
    %max3A_85 = arith.maximumf %max3A_56, %sqrt3A_71 : vector<1x5120xf32>
    %get3A_86 = arith.constant 0 : index
    %get3A_87 = arith.constant 3 : index
    %get3A_88 = arith.constant 0 : index
    %get3A_89 = arith.constant 0 : index
    %get3A_90 = vector.load %arg2[%get3A_86, %get3A_87, %get3A_88, %get3A_89] : memref<1x16x3x5120xf32, #tpu.memory_space<vmem>>, vector<1x1x3x5120xf32>
    %get3A_91 = vector.shape_cast %get3A_90 : vector<1x1x3x5120xf32> to vector<3x5120xf32>
    %slice3A_92 = vector.extract_strided_slice %get3A_91 {offsets = [0, 0], sizes = [1, 5120], strides = [1, 1]} : vector<3x5120xf32> to vector<1x5120xf32>
    %integer_pow3A_93 = arith.mulf %slice3A_92, %slice3A_92 : vector<1x5120xf32>
    %slice3A_94 = vector.extract_strided_slice %get3A_91 {offsets = [1, 0], sizes = [1, 5120], strides = [1, 1]} : vector<3x5120xf32> to vector<1x5120xf32>
    %integer_pow3A_95 = arith.mulf %slice3A_94, %slice3A_94 : vector<1x5120xf32>
    %add3A_96 = arith.addf %integer_pow3A_93, %integer_pow3A_95 : vector<1x5120xf32>
    %slice3A_97 = vector.extract_strided_slice %get3A_91 {offsets = [2, 0], sizes = [1, 5120], strides = [1, 1]} : vector<3x5120xf32> to vector<1x5120xf32>
    %integer_pow3A_98 = arith.mulf %slice3A_97, %slice3A_97 : vector<1x5120xf32>
    %add3A_99 = arith.addf %add3A_96, %integer_pow3A_98 : vector<1x5120xf32>
    %sqrt3A_100 = math.sqrt %add3A_99 : vector<1x5120xf32>
    %max3A_101 = arith.constant 9.99999996E-13 : f32
    %max3A_102 = vector.broadcast %max3A_101 : f32 to vector<1x5120xf32>
    %max3A_103 = arith.maximumf %sqrt3A_100, %max3A_102 : vector<1x5120xf32>
    %div3A_104 = arith.constant 1.000000e+00 : f32
    %div3A_105 = vector.broadcast %div3A_104 : f32 to vector<1x5120xf32>
    %div3A_106 = arith.divf %div3A_105, %max3A_103 : vector<1x5120xf32>
    %convert_element_type3A_107 = arith.truncf %div3A_5 : vector<256x3xf32> to vector<256x3xbf16>
    %mul3A_108 = vector.broadcast %div3A_106 : vector<1x5120xf32> to vector<3x5120xf32>
    %mul3A_109 = arith.mulf %get3A_91, %mul3A_108 : vector<3x5120xf32>
    %convert_element_type3A_110 = arith.truncf %mul3A_109 : vector<3x5120xf32> to vector<3x5120xbf16>
    %dot_general3A_111 = arith.constant dense<0.000000e+00> : vector<256x5120xf32>
    %dot_general3A_112 = tpu.matmul %convert_element_type3A_107, %convert_element_type3A_110, %dot_general3A_111 {dimension_numbers = #tpu.dot_dimension_numbers<[1], [0], [0], [1], [0, 0, 1, 1], [], []>, transpose_lhs_hint = false} : vector<256x3xbf16>, vector<3x5120xbf16>, vector<256x5120xf32> -> vector<256x5120xf32>
    %max3A_113 = arith.maximumf %max3A_84, %dot_general3A_112 : vector<256x5120xf32>
    %max3A_114 = arith.maximumf %max3A_85, %sqrt3A_100 : vector<1x5120xf32>
    %get3A_115 = arith.constant 0 : index
    %get3A_116 = arith.constant 4 : index
    %get3A_117 = arith.constant 0 : index
    %get3A_118 = arith.constant 0 : index
    %get3A_119 = vector.load %arg2[%get3A_115, %get3A_116, %get3A_117, %get3A_118] : memref<1x16x3x5120xf32, #tpu.memory_space<vmem>>, vector<1x1x3x5120xf32>
    %get3A_120 = vector.shape_cast %get3A_119 : vector<1x1x3x5120xf32> to vector<3x5120xf32>
    %slice3A_121 = vector.extract_strided_slice %get3A_120 {offsets = [0, 0], sizes = [1, 5120], strides = [1, 1]} : vector<3x5120xf32> to vector<1x5120xf32>
    %integer_pow3A_122 = arith.mulf %slice3A_121, %slice3A_121 : vector<1x5120xf32>
    %slice3A_123 = vector.extract_strided_slice %get3A_120 {offsets = [1, 0], sizes = [1, 5120], strides = [1, 1]} : vector<3x5120xf32> to vector<1x5120xf32>
    %integer_pow3A_124 = arith.mulf %slice3A_123, %slice3A_123 : vector<1x5120xf32>
    %add3A_125 = arith.addf %integer_pow3A_122, %integer_pow3A_124 : vector<1x5120xf32>
    %slice3A_126 = vector.extract_strided_slice %get3A_120 {offsets = [2, 0], sizes = [1, 5120], strides = [1, 1]} : vector<3x5120xf32> to vector<1x5120xf32>
    %integer_pow3A_127 = arith.mulf %slice3A_126, %slice3A_126 : vector<1x5120xf32>
    %add3A_128 = arith.addf %add3A_125, %integer_pow3A_127 : vector<1x5120xf32>
    %sqrt3A_129 = math.sqrt %add3A_128 : vector<1x5120xf32>
    %max3A_130 = arith.constant 9.99999996E-13 : f32
    %max3A_131 = vector.broadcast %max3A_130 : f32 to vector<1x5120xf32>
    %max3A_132 = arith.maximumf %sqrt3A_129, %max3A_131 : vector<1x5120xf32>
    %div3A_133 = arith.constant 1.000000e+00 : f32
    %div3A_134 = vector.broadcast %div3A_133 : f32 to vector<1x5120xf32>
    %div3A_135 = arith.divf %div3A_134, %max3A_132 : vector<1x5120xf32>
    %convert_element_type3A_136 = arith.truncf %div3A_5 : vector<256x3xf32> to vector<256x3xbf16>
    %mul3A_137 = vector.broadcast %div3A_135 : vector<1x5120xf32> to vector<3x5120xf32>
    %mul3A_138 = arith.mulf %get3A_120, %mul3A_137 : vector<3x5120xf32>
    %convert_element_type3A_139 = arith.truncf %mul3A_138 : vector<3x5120xf32> to vector<3x5120xbf16>
    %dot_general3A_140 = arith.constant dense<0.000000e+00> : vector<256x5120xf32>
    %dot_general3A_141 = tpu.matmul %convert_element_type3A_136, %convert_element_type3A_139, %dot_general3A_140 {dimension_numbers = #tpu.dot_dimension_numbers<[1], [0], [0], [1], [0, 0, 1, 1], [], []>, transpose_lhs_hint = false} : vector<256x3xbf16>, vector<3x5120xbf16>, vector<256x5120xf32> -> vector<256x5120xf32>
    %max3A_142 = arith.maximumf %max3A_113, %dot_general3A_141 : vector<256x5120xf32>
    %max3A_143 = arith.maximumf %max3A_114, %sqrt3A_129 : vector<1x5120xf32>
    %get3A_144 = arith.constant 0 : index
    %get3A_145 = arith.constant 5 : index
    %get3A_146 = arith.constant 0 : index
    %get3A_147 = arith.constant 0 : index
    %get3A_148 = vector.load %arg2[%get3A_144, %get3A_145, %get3A_146, %get3A_147] : memref<1x16x3x5120xf32, #tpu.memory_space<vmem>>, vector<1x1x3x5120xf32>
    %get3A_149 = vector.shape_cast %get3A_148 : vector<1x1x3x5120xf32> to vector<3x5120xf32>
    %slice3A_150 = vector.extract_strided_slice %get3A_149 {offsets = [0, 0], sizes = [1, 5120], strides = [1, 1]} : vector<3x5120xf32> to vector<1x5120xf32>
    %integer_pow3A_151 = arith.mulf %slice3A_150, %slice3A_150 : vector<1x5120xf32>
    %slice3A_152 = vector.extract_strided_slice %get3A_149 {offsets = [1, 0], sizes = [1, 5120], strides = [1, 1]} : vector<3x5120xf32> to vector<1x5120xf32>
    %integer_pow3A_153 = arith.mulf %slice3A_152, %slice3A_152 : vector<1x5120xf32>
    %add3A_154 = arith.addf %integer_pow3A_151, %integer_pow3A_153 : vector<1x5120xf32>
    %slice3A_155 = vector.extract_strided_slice %get3A_149 {offsets = [2, 0], sizes = [1, 5120], strides = [1, 1]} : vector<3x5120xf32> to vector<1x5120xf32>
    %integer_pow3A_156 = arith.mulf %slice3A_155, %slice3A_155 : vector<1x5120xf32>
    %add3A_157 = arith.addf %add3A_154, %integer_pow3A_156 : vector<1x5120xf32>
    %sqrt3A_158 = math.sqrt %add3A_157 : vector<1x5120xf32>
    %max3A_159 = arith.constant 9.99999996E-13 : f32
    %max3A_160 = vector.broadcast %max3A_159 : f32 to vector<1x5120xf32>
    %max3A_161 = arith.maximumf %sqrt3A_158, %max3A_160 : vector<1x5120xf32>
    %div3A_162 = arith.constant 1.000000e+00 : f32
    %div3A_163 = vector.broadcast %div3A_162 : f32 to vector<1x5120xf32>
    %div3A_164 = arith.divf %div3A_163, %max3A_161 : vector<1x5120xf32>
    %convert_element_type3A_165 = arith.truncf %div3A_5 : vector<256x3xf32> to vector<256x3xbf16>
    %mul3A_166 = vector.broadcast %div3A_164 : vector<1x5120xf32> to vector<3x5120xf32>
    %mul3A_167 = arith.mulf %get3A_149, %mul3A_166 : vector<3x5120xf32>
    %convert_element_type3A_168 = arith.truncf %mul3A_167 : vector<3x5120xf32> to vector<3x5120xbf16>
    %dot_general3A_169 = arith.constant dense<0.000000e+00> : vector<256x5120xf32>
    %dot_general3A_170 = tpu.matmul %convert_element_type3A_165, %convert_element_type3A_168, %dot_general3A_169 {dimension_numbers = #tpu.dot_dimension_numbers<[1], [0], [0], [1], [0, 0, 1, 1], [], []>, transpose_lhs_hint = false} : vector<256x3xbf16>, vector<3x5120xbf16>, vector<256x5120xf32> -> vector<256x5120xf32>
    %max3A_171 = arith.maximumf %max3A_142, %dot_general3A_170 : vector<256x5120xf32>
    %max3A_172 = arith.maximumf %max3A_143, %sqrt3A_158 : vector<1x5120xf32>
    %get3A_173 = arith.constant 0 : index
    %get3A_174 = arith.constant 6 : index
    %get3A_175 = arith.constant 0 : index
    %get3A_176 = arith.constant 0 : index
    %get3A_177 = vector.load %arg2[%get3A_173, %get3A_174, %get3A_175, %get3A_176] : memref<1x16x3x5120xf32, #tpu.memory_space<vmem>>, vector<1x1x3x5120xf32>
    %get3A_178 = vector.shape_cast %get3A_177 : vector<1x1x3x5120xf32> to vector<3x5120xf32>
    %slice3A_179 = vector.extract_strided_slice %get3A_178 {offsets = [0, 0], sizes = [1, 5120], strides = [1, 1]} : vector<3x5120xf32> to vector<1x5120xf32>
    %integer_pow3A_180 = arith.mulf %slice3A_179, %slice3A_179 : vector<1x5120xf32>
    %slice3A_181 = vector.extract_strided_slice %get3A_178 {offsets = [1, 0], sizes = [1, 5120], strides = [1, 1]} : vector<3x5120xf32> to vector<1x5120xf32>
    %integer_pow3A_182 = arith.mulf %slice3A_181, %slice3A_181 : vector<1x5120xf32>
    %add3A_183 = arith.addf %integer_pow3A_180, %integer_pow3A_182 : vector<1x5120xf32>
    %slice3A_184 = vector.extract_strided_slice %get3A_178 {offsets = [2, 0], sizes = [1, 5120], strides = [1, 1]} : vector<3x5120xf32> to vector<1x5120xf32>
    %integer_pow3A_185 = arith.mulf %slice3A_184, %slice3A_184 : vector<1x5120xf32>
    %add3A_186 = arith.addf %add3A_183, %integer_pow3A_185 : vector<1x5120xf32>
    %sqrt3A_187 = math.sqrt %add3A_186 : vector<1x5120xf32>
    %max3A_188 = arith.constant 9.99999996E-13 : f32
    %max3A_189 = vector.broadcast %max3A_188 : f32 to vector<1x5120xf32>
    %max3A_190 = arith.maximumf %sqrt3A_187, %max3A_189 : vector<1x5120xf32>
    %div3A_191 = arith.constant 1.000000e+00 : f32
    %div3A_192 = vector.broadcast %div3A_191 : f32 to vector<1x5120xf32>
    %div3A_193 = arith.divf %div3A_192, %max3A_190 : vector<1x5120xf32>
    %convert_element_type3A_194 = arith.truncf %div3A_5 : vector<256x3xf32> to vector<256x3xbf16>
    %mul3A_195 = vector.broadcast %div3A_193 : vector<1x5120xf32> to vector<3x5120xf32>
    %mul3A_196 = arith.mulf %get3A_178, %mul3A_195 : vector<3x5120xf32>
    %convert_element_type3A_197 = arith.truncf %mul3A_196 : vector<3x5120xf32> to vector<3x5120xbf16>
    %dot_general3A_198 = arith.constant dense<0.000000e+00> : vector<256x5120xf32>
    %dot_general3A_199 = tpu.matmul %convert_element_type3A_194, %convert_element_type3A_197, %dot_general3A_198 {dimension_numbers = #tpu.dot_dimension_numbers<[1], [0], [0], [1], [0, 0, 1, 1], [], []>, transpose_lhs_hint = false} : vector<256x3xbf16>, vector<3x5120xbf16>, vector<256x5120xf32> -> vector<256x5120xf32>
    %max3A_200 = arith.maximumf %max3A_171, %dot_general3A_199 : vector<256x5120xf32>
    %max3A_201 = arith.maximumf %max3A_172, %sqrt3A_187 : vector<1x5120xf32>
    %get3A_202 = arith.constant 0 : index
    %get3A_203 = arith.constant 7 : index
    %get3A_204 = arith.constant 0 : index
    %get3A_205 = arith.constant 0 : index
    %get3A_206 = vector.load %arg2[%get3A_202, %get3A_203, %get3A_204, %get3A_205] : memref<1x16x3x5120xf32, #tpu.memory_space<vmem>>, vector<1x1x3x5120xf32>
    %get3A_207 = vector.shape_cast %get3A_206 : vector<1x1x3x5120xf32> to vector<3x5120xf32>
    %slice3A_208 = vector.extract_strided_slice %get3A_207 {offsets = [0, 0], sizes = [1, 5120], strides = [1, 1]} : vector<3x5120xf32> to vector<1x5120xf32>
    %integer_pow3A_209 = arith.mulf %slice3A_208, %slice3A_208 : vector<1x5120xf32>
    %slice3A_210 = vector.extract_strided_slice %get3A_207 {offsets = [1, 0], sizes = [1, 5120], strides = [1, 1]} : vector<3x5120xf32> to vector<1x5120xf32>
    %integer_pow3A_211 = arith.mulf %slice3A_210, %slice3A_210 : vector<1x5120xf32>
    %add3A_212 = arith.addf %integer_pow3A_209, %integer_pow3A_211 : vector<1x5120xf32>
    %slice3A_213 = vector.extract_strided_slice %get3A_207 {offsets = [2, 0], sizes = [1, 5120], strides = [1, 1]} : vector<3x5120xf32> to vector<1x5120xf32>
    %integer_pow3A_214 = arith.mulf %slice3A_213, %slice3A_213 : vector<1x5120xf32>
    %add3A_215 = arith.addf %add3A_212, %integer_pow3A_214 : vector<1x5120xf32>
    %sqrt3A_216 = math.sqrt %add3A_215 : vector<1x5120xf32>
    %max3A_217 = arith.constant 9.99999996E-13 : f32
    %max3A_218 = vector.broadcast %max3A_217 : f32 to vector<1x5120xf32>
    %max3A_219 = arith.maximumf %sqrt3A_216, %max3A_218 : vector<1x5120xf32>
    %div3A_220 = arith.constant 1.000000e+00 : f32
    %div3A_221 = vector.broadcast %div3A_220 : f32 to vector<1x5120xf32>
    %div3A_222 = arith.divf %div3A_221, %max3A_219 : vector<1x5120xf32>
    %convert_element_type3A_223 = arith.truncf %div3A_5 : vector<256x3xf32> to vector<256x3xbf16>
    %mul3A_224 = vector.broadcast %div3A_222 : vector<1x5120xf32> to vector<3x5120xf32>
    %mul3A_225 = arith.mulf %get3A_207, %mul3A_224 : vector<3x5120xf32>
    %convert_element_type3A_226 = arith.truncf %mul3A_225 : vector<3x5120xf32> to vector<3x5120xbf16>
    %dot_general3A_227 = arith.constant dense<0.000000e+00> : vector<256x5120xf32>
    %dot_general3A_228 = tpu.matmul %convert_element_type3A_223, %convert_element_type3A_226, %dot_general3A_227 {dimension_numbers = #tpu.dot_dimension_numbers<[1], [0], [0], [1], [0, 0, 1, 1], [], []>, transpose_lhs_hint = false} : vector<256x3xbf16>, vector<3x5120xbf16>, vector<256x5120xf32> -> vector<256x5120xf32>
    %max3A_229 = arith.maximumf %max3A_200, %dot_general3A_228 : vector<256x5120xf32>
    %max3A_230 = arith.maximumf %max3A_201, %sqrt3A_216 : vector<1x5120xf32>
    %get3A_231 = arith.constant 0 : index
    %get3A_232 = arith.constant 8 : index
    %get3A_233 = arith.constant 0 : index
    %get3A_234 = arith.constant 0 : index
    %get3A_235 = vector.load %arg2[%get3A_231, %get3A_232, %get3A_233, %get3A_234] : memref<1x16x3x5120xf32, #tpu.memory_space<vmem>>, vector<1x1x3x5120xf32>
    %get3A_236 = vector.shape_cast %get3A_235 : vector<1x1x3x5120xf32> to vector<3x5120xf32>
    %slice3A_237 = vector.extract_strided_slice %get3A_236 {offsets = [0, 0], sizes = [1, 5120], strides = [1, 1]} : vector<3x5120xf32> to vector<1x5120xf32>
    %integer_pow3A_238 = arith.mulf %slice3A_237, %slice3A_237 : vector<1x5120xf32>
    %slice3A_239 = vector.extract_strided_slice %get3A_236 {offsets = [1, 0], sizes = [1, 5120], strides = [1, 1]} : vector<3x5120xf32> to vector<1x5120xf32>
    %integer_pow3A_240 = arith.mulf %slice3A_239, %slice3A_239 : vector<1x5120xf32>
    %add3A_241 = arith.addf %integer_pow3A_238, %integer_pow3A_240 : vector<1x5120xf32>
    %slice3A_242 = vector.extract_strided_slice %get3A_236 {offsets = [2, 0], sizes = [1, 5120], strides = [1, 1]} : vector<3x5120xf32> to vector<1x5120xf32>
    %integer_pow3A_243 = arith.mulf %slice3A_242, %slice3A_242 : vector<1x5120xf32>
    %add3A_244 = arith.addf %add3A_241, %integer_pow3A_243 : vector<1x5120xf32>
    %sqrt3A_245 = math.sqrt %add3A_244 : vector<1x5120xf32>
    %max3A_246 = arith.constant 9.99999996E-13 : f32
    %max3A_247 = vector.broadcast %max3A_246 : f32 to vector<1x5120xf32>
    %max3A_248 = arith.maximumf %sqrt3A_245, %max3A_247 : vector<1x5120xf32>
    %div3A_249 = arith.constant 1.000000e+00 : f32
    %div3A_250 = vector.broadcast %div3A_249 : f32 to vector<1x5120xf32>
    %div3A_251 = arith.divf %div3A_250, %max3A_248 : vector<1x5120xf32>
    %convert_element_type3A_252 = arith.truncf %div3A_5 : vector<256x3xf32> to vector<256x3xbf16>
    %mul3A_253 = vector.broadcast %div3A_251 : vector<1x5120xf32> to vector<3x5120xf32>
    %mul3A_254 = arith.mulf %get3A_236, %mul3A_253 : vector<3x5120xf32>
    %convert_element_type3A_255 = arith.truncf %mul3A_254 : vector<3x5120xf32> to vector<3x5120xbf16>
    %dot_general3A_256 = arith.constant dense<0.000000e+00> : vector<256x5120xf32>
    %dot_general3A_257 = tpu.matmul %convert_element_type3A_252, %convert_element_type3A_255, %dot_general3A_256 {dimension_numbers = #tpu.dot_dimension_numbers<[1], [0], [0], [1], [0, 0, 1, 1], [], []>, transpose_lhs_hint = false} : vector<256x3xbf16>, vector<3x5120xbf16>, vector<256x5120xf32> -> vector<256x5120xf32>
    %max3A_258 = arith.maximumf %max3A_229, %dot_general3A_257 : vector<256x5120xf32>
    %max3A_259 = arith.maximumf %max3A_230, %sqrt3A_245 : vector<1x5120xf32>
    %get3A_260 = arith.constant 0 : index
    %get3A_261 = arith.constant 9 : index
    %get3A_262 = arith.constant 0 : index
    %get3A_263 = arith.constant 0 : index
    %get3A_264 = vector.load %arg2[%get3A_260, %get3A_261, %get3A_262, %get3A_263] : memref<1x16x3x5120xf32, #tpu.memory_space<vmem>>, vector<1x1x3x5120xf32>
    %get3A_265 = vector.shape_cast %get3A_264 : vector<1x1x3x5120xf32> to vector<3x5120xf32>
    %slice3A_266 = vector.extract_strided_slice %get3A_265 {offsets = [0, 0], sizes = [1, 5120], strides = [1, 1]} : vector<3x5120xf32> to vector<1x5120xf32>
    %integer_pow3A_267 = arith.mulf %slice3A_266, %slice3A_266 : vector<1x5120xf32>
    %slice3A_268 = vector.extract_strided_slice %get3A_265 {offsets = [1, 0], sizes = [1, 5120], strides = [1, 1]} : vector<3x5120xf32> to vector<1x5120xf32>
    %integer_pow3A_269 = arith.mulf %slice3A_268, %slice3A_268 : vector<1x5120xf32>
    %add3A_270 = arith.addf %integer_pow3A_267, %integer_pow3A_269 : vector<1x5120xf32>
    %slice3A_271 = vector.extract_strided_slice %get3A_265 {offsets = [2, 0], sizes = [1, 5120], strides = [1, 1]} : vector<3x5120xf32> to vector<1x5120xf32>
    %integer_pow3A_272 = arith.mulf %slice3A_271, %slice3A_271 : vector<1x5120xf32>
    %add3A_273 = arith.addf %add3A_270, %integer_pow3A_272 : vector<1x5120xf32>
    %sqrt3A_274 = math.sqrt %add3A_273 : vector<1x5120xf32>
    %max3A_275 = arith.constant 9.99999996E-13 : f32
    %max3A_276 = vector.broadcast %max3A_275 : f32 to vector<1x5120xf32>
    %max3A_277 = arith.maximumf %sqrt3A_274, %max3A_276 : vector<1x5120xf32>
    %div3A_278 = arith.constant 1.000000e+00 : f32
    %div3A_279 = vector.broadcast %div3A_278 : f32 to vector<1x5120xf32>
    %div3A_280 = arith.divf %div3A_279, %max3A_277 : vector<1x5120xf32>
    %convert_element_type3A_281 = arith.truncf %div3A_5 : vector<256x3xf32> to vector<256x3xbf16>
    %mul3A_282 = vector.broadcast %div3A_280 : vector<1x5120xf32> to vector<3x5120xf32>
    %mul3A_283 = arith.mulf %get3A_265, %mul3A_282 : vector<3x5120xf32>
    %convert_element_type3A_284 = arith.truncf %mul3A_283 : vector<3x5120xf32> to vector<3x5120xbf16>
    %dot_general3A_285 = arith.constant dense<0.000000e+00> : vector<256x5120xf32>
    %dot_general3A_286 = tpu.matmul %convert_element_type3A_281, %convert_element_type3A_284, %dot_general3A_285 {dimension_numbers = #tpu.dot_dimension_numbers<[1], [0], [0], [1], [0, 0, 1, 1], [], []>, transpose_lhs_hint = false} : vector<256x3xbf16>, vector<3x5120xbf16>, vector<256x5120xf32> -> vector<256x5120xf32>
    %max3A_287 = arith.maximumf %max3A_258, %dot_general3A_286 : vector<256x5120xf32>
    %max3A_288 = arith.maximumf %max3A_259, %sqrt3A_274 : vector<1x5120xf32>
    %get3A_289 = arith.constant 0 : index
    %get3A_290 = arith.constant 10 : index
    %get3A_291 = arith.constant 0 : index
    %get3A_292 = arith.constant 0 : index
    %get3A_293 = vector.load %arg2[%get3A_289, %get3A_290, %get3A_291, %get3A_292] : memref<1x16x3x5120xf32, #tpu.memory_space<vmem>>, vector<1x1x3x5120xf32>
    %get3A_294 = vector.shape_cast %get3A_293 : vector<1x1x3x5120xf32> to vector<3x5120xf32>
    %slice3A_295 = vector.extract_strided_slice %get3A_294 {offsets = [0, 0], sizes = [1, 5120], strides = [1, 1]} : vector<3x5120xf32> to vector<1x5120xf32>
    %integer_pow3A_296 = arith.mulf %slice3A_295, %slice3A_295 : vector<1x5120xf32>
    %slice3A_297 = vector.extract_strided_slice %get3A_294 {offsets = [1, 0], sizes = [1, 5120], strides = [1, 1]} : vector<3x5120xf32> to vector<1x5120xf32>
    %integer_pow3A_298 = arith.mulf %slice3A_297, %slice3A_297 : vector<1x5120xf32>
    %add3A_299 = arith.addf %integer_pow3A_296, %integer_pow3A_298 : vector<1x5120xf32>
    %slice3A_300 = vector.extract_strided_slice %get3A_294 {offsets = [2, 0], sizes = [1, 5120], strides = [1, 1]} : vector<3x5120xf32> to vector<1x5120xf32>
    %integer_pow3A_301 = arith.mulf %slice3A_300, %slice3A_300 : vector<1x5120xf32>
    %add3A_302 = arith.addf %add3A_299, %integer_pow3A_301 : vector<1x5120xf32>
    %sqrt3A_303 = math.sqrt %add3A_302 : vector<1x5120xf32>
    %max3A_304 = arith.constant 9.99999996E-13 : f32
    %max3A_305 = vector.broadcast %max3A_304 : f32 to vector<1x5120xf32>
    %max3A_306 = arith.maximumf %sqrt3A_303, %max3A_305 : vector<1x5120xf32>
    %div3A_307 = arith.constant 1.000000e+00 : f32
    %div3A_308 = vector.broadcast %div3A_307 : f32 to vector<1x5120xf32>
    %div3A_309 = arith.divf %div3A_308, %max3A_306 : vector<1x5120xf32>
    %convert_element_type3A_310 = arith.truncf %div3A_5 : vector<256x3xf32> to vector<256x3xbf16>
    %mul3A_311 = vector.broadcast %div3A_309 : vector<1x5120xf32> to vector<3x5120xf32>
    %mul3A_312 = arith.mulf %get3A_294, %mul3A_311 : vector<3x5120xf32>
    %convert_element_type3A_313 = arith.truncf %mul3A_312 : vector<3x5120xf32> to vector<3x5120xbf16>
    %dot_general3A_314 = arith.constant dense<0.000000e+00> : vector<256x5120xf32>
    %dot_general3A_315 = tpu.matmul %convert_element_type3A_310, %convert_element_type3A_313, %dot_general3A_314 {dimension_numbers = #tpu.dot_dimension_numbers<[1], [0], [0], [1], [0, 0, 1, 1], [], []>, transpose_lhs_hint = false} : vector<256x3xbf16>, vector<3x5120xbf16>, vector<256x5120xf32> -> vector<256x5120xf32>
    %max3A_316 = arith.maximumf %max3A_287, %dot_general3A_315 : vector<256x5120xf32>
    %max3A_317 = arith.maximumf %max3A_288, %sqrt3A_303 : vector<1x5120xf32>
    %get3A_318 = arith.constant 0 : index
    %get3A_319 = arith.constant 11 : index
    %get3A_320 = arith.constant 0 : index
    %get3A_321 = arith.constant 0 : index
    %get3A_322 = vector.load %arg2[%get3A_318, %get3A_319, %get3A_320, %get3A_321] : memref<1x16x3x5120xf32, #tpu.memory_space<vmem>>, vector<1x1x3x5120xf32>
    %get3A_323 = vector.shape_cast %get3A_322 : vector<1x1x3x5120xf32> to vector<3x5120xf32>
    %slice3A_324 = vector.extract_strided_slice %get3A_323 {offsets = [0, 0], sizes = [1, 5120], strides = [1, 1]} : vector<3x5120xf32> to vector<1x5120xf32>
    %integer_pow3A_325 = arith.mulf %slice3A_324, %slice3A_324 : vector<1x5120xf32>
    %slice3A_326 = vector.extract_strided_slice %get3A_323 {offsets = [1, 0], sizes = [1, 5120], strides = [1, 1]} : vector<3x5120xf32> to vector<1x5120xf32>
    %integer_pow3A_327 = arith.mulf %slice3A_326, %slice3A_326 : vector<1x5120xf32>
    %add3A_328 = arith.addf %integer_pow3A_325, %integer_pow3A_327 : vector<1x5120xf32>
    %slice3A_329 = vector.extract_strided_slice %get3A_323 {offsets = [2, 0], sizes = [1, 5120], strides = [1, 1]} : vector<3x5120xf32> to vector<1x5120xf32>
    %integer_pow3A_330 = arith.mulf %slice3A_329, %slice3A_329 : vector<1x5120xf32>
    %add3A_331 = arith.addf %add3A_328, %integer_pow3A_330 : vector<1x5120xf32>
    %sqrt3A_332 = math.sqrt %add3A_331 : vector<1x5120xf32>
    %max3A_333 = arith.constant 9.99999996E-13 : f32
    %max3A_334 = vector.broadcast %max3A_333 : f32 to vector<1x5120xf32>
    %max3A_335 = arith.maximumf %sqrt3A_332, %max3A_334 : vector<1x5120xf32>
    %div3A_336 = arith.constant 1.000000e+00 : f32
    %div3A_337 = vector.broadcast %div3A_336 : f32 to vector<1x5120xf32>
    %div3A_338 = arith.divf %div3A_337, %max3A_335 : vector<1x5120xf32>
    %convert_element_type3A_339 = arith.truncf %div3A_5 : vector<256x3xf32> to vector<256x3xbf16>
    %mul3A_340 = vector.broadcast %div3A_338 : vector<1x5120xf32> to vector<3x5120xf32>
    %mul3A_341 = arith.mulf %get3A_323, %mul3A_340 : vector<3x5120xf32>
    %convert_element_type3A_342 = arith.truncf %mul3A_341 : vector<3x5120xf32> to vector<3x5120xbf16>
    %dot_general3A_343 = arith.constant dense<0.000000e+00> : vector<256x5120xf32>
    %dot_general3A_344 = tpu.matmul %convert_element_type3A_339, %convert_element_type3A_342, %dot_general3A_343 {dimension_numbers = #tpu.dot_dimension_numbers<[1], [0], [0], [1], [0, 0, 1, 1], [], []>, transpose_lhs_hint = false} : vector<256x3xbf16>, vector<3x5120xbf16>, vector<256x5120xf32> -> vector<256x5120xf32>
    %max3A_345 = arith.maximumf %max3A_316, %dot_general3A_344 : vector<256x5120xf32>
    %max3A_346 = arith.maximumf %max3A_317, %sqrt3A_332 : vector<1x5120xf32>
    %get3A_347 = arith.constant 0 : index
    %get3A_348 = arith.constant 12 : index
    %get3A_349 = arith.constant 0 : index
    %get3A_350 = arith.constant 0 : index
    %get3A_351 = vector.load %arg2[%get3A_347, %get3A_348, %get3A_349, %get3A_350] : memref<1x16x3x5120xf32, #tpu.memory_space<vmem>>, vector<1x1x3x5120xf32>
    %get3A_352 = vector.shape_cast %get3A_351 : vector<1x1x3x5120xf32> to vector<3x5120xf32>
    %slice3A_353 = vector.extract_strided_slice %get3A_352 {offsets = [0, 0], sizes = [1, 5120], strides = [1, 1]} : vector<3x5120xf32> to vector<1x5120xf32>
    %integer_pow3A_354 = arith.mulf %slice3A_353, %slice3A_353 : vector<1x5120xf32>
    %slice3A_355 = vector.extract_strided_slice %get3A_352 {offsets = [1, 0], sizes = [1, 5120], strides = [1, 1]} : vector<3x5120xf32> to vector<1x5120xf32>
    %integer_pow3A_356 = arith.mulf %slice3A_355, %slice3A_355 : vector<1x5120xf32>
    %add3A_357 = arith.addf %integer_pow3A_354, %integer_pow3A_356 : vector<1x5120xf32>
    %slice3A_358 = vector.extract_strided_slice %get3A_352 {offsets = [2, 0], sizes = [1, 5120], strides = [1, 1]} : vector<3x5120xf32> to vector<1x5120xf32>
    %integer_pow3A_359 = arith.mulf %slice3A_358, %slice3A_358 : vector<1x5120xf32>
    %add3A_360 = arith.addf %add3A_357, %integer_pow3A_359 : vector<1x5120xf32>
    %sqrt3A_361 = math.sqrt %add3A_360 : vector<1x5120xf32>
    %max3A_362 = arith.constant 9.99999996E-13 : f32
    %max3A_363 = vector.broadcast %max3A_362 : f32 to vector<1x5120xf32>
    %max3A_364 = arith.maximumf %sqrt3A_361, %max3A_363 : vector<1x5120xf32>
    %div3A_365 = arith.constant 1.000000e+00 : f32
    %div3A_366 = vector.broadcast %div3A_365 : f32 to vector<1x5120xf32>
    %div3A_367 = arith.divf %div3A_366, %max3A_364 : vector<1x5120xf32>
    %convert_element_type3A_368 = arith.truncf %div3A_5 : vector<256x3xf32> to vector<256x3xbf16>
    %mul3A_369 = vector.broadcast %div3A_367 : vector<1x5120xf32> to vector<3x5120xf32>
    %mul3A_370 = arith.mulf %get3A_352, %mul3A_369 : vector<3x5120xf32>
    %convert_element_type3A_371 = arith.truncf %mul3A_370 : vector<3x5120xf32> to vector<3x5120xbf16>
    %dot_general3A_372 = arith.constant dense<0.000000e+00> : vector<256x5120xf32>
    %dot_general3A_373 = tpu.matmul %convert_element_type3A_368, %convert_element_type3A_371, %dot_general3A_372 {dimension_numbers = #tpu.dot_dimension_numbers<[1], [0], [0], [1], [0, 0, 1, 1], [], []>, transpose_lhs_hint = false} : vector<256x3xbf16>, vector<3x5120xbf16>, vector<256x5120xf32> -> vector<256x5120xf32>
    %max3A_374 = arith.maximumf %max3A_345, %dot_general3A_373 : vector<256x5120xf32>
    %max3A_375 = arith.maximumf %max3A_346, %sqrt3A_361 : vector<1x5120xf32>
    %get3A_376 = arith.constant 0 : index
    %get3A_377 = arith.constant 13 : index
    %get3A_378 = arith.constant 0 : index
    %get3A_379 = arith.constant 0 : index
    %get3A_380 = vector.load %arg2[%get3A_376, %get3A_377, %get3A_378, %get3A_379] : memref<1x16x3x5120xf32, #tpu.memory_space<vmem>>, vector<1x1x3x5120xf32>
    %get3A_381 = vector.shape_cast %get3A_380 : vector<1x1x3x5120xf32> to vector<3x5120xf32>
    %slice3A_382 = vector.extract_strided_slice %get3A_381 {offsets = [0, 0], sizes = [1, 5120], strides = [1, 1]} : vector<3x5120xf32> to vector<1x5120xf32>
    %integer_pow3A_383 = arith.mulf %slice3A_382, %slice3A_382 : vector<1x5120xf32>
    %slice3A_384 = vector.extract_strided_slice %get3A_381 {offsets = [1, 0], sizes = [1, 5120], strides = [1, 1]} : vector<3x5120xf32> to vector<1x5120xf32>
    %integer_pow3A_385 = arith.mulf %slice3A_384, %slice3A_384 : vector<1x5120xf32>
    %add3A_386 = arith.addf %integer_pow3A_383, %integer_pow3A_385 : vector<1x5120xf32>
    %slice3A_387 = vector.extract_strided_slice %get3A_381 {offsets = [2, 0], sizes = [1, 5120], strides = [1, 1]} : vector<3x5120xf32> to vector<1x5120xf32>
    %integer_pow3A_388 = arith.mulf %slice3A_387, %slice3A_387 : vector<1x5120xf32>
    %add3A_389 = arith.addf %add3A_386, %integer_pow3A_388 : vector<1x5120xf32>
    %sqrt3A_390 = math.sqrt %add3A_389 : vector<1x5120xf32>
    %max3A_391 = arith.constant 9.99999996E-13 : f32
    %max3A_392 = vector.broadcast %max3A_391 : f32 to vector<1x5120xf32>
    %max3A_393 = arith.maximumf %sqrt3A_390, %max3A_392 : vector<1x5120xf32>
    %div3A_394 = arith.constant 1.000000e+00 : f32
    %div3A_395 = vector.broadcast %div3A_394 : f32 to vector<1x5120xf32>
    %div3A_396 = arith.divf %div3A_395, %max3A_393 : vector<1x5120xf32>
    %convert_element_type3A_397 = arith.truncf %div3A_5 : vector<256x3xf32> to vector<256x3xbf16>
    %mul3A_398 = vector.broadcast %div3A_396 : vector<1x5120xf32> to vector<3x5120xf32>
    %mul3A_399 = arith.mulf %get3A_381, %mul3A_398 : vector<3x5120xf32>
    %convert_element_type3A_400 = arith.truncf %mul3A_399 : vector<3x5120xf32> to vector<3x5120xbf16>
    %dot_general3A_401 = arith.constant dense<0.000000e+00> : vector<256x5120xf32>
    %dot_general3A_402 = tpu.matmul %convert_element_type3A_397, %convert_element_type3A_400, %dot_general3A_401 {dimension_numbers = #tpu.dot_dimension_numbers<[1], [0], [0], [1], [0, 0, 1, 1], [], []>, transpose_lhs_hint = false} : vector<256x3xbf16>, vector<3x5120xbf16>, vector<256x5120xf32> -> vector<256x5120xf32>
    %max3A_403 = arith.maximumf %max3A_374, %dot_general3A_402 : vector<256x5120xf32>
    %max3A_404 = arith.maximumf %max3A_375, %sqrt3A_390 : vector<1x5120xf32>
    %get3A_405 = arith.constant 0 : index
    %get3A_406 = arith.constant 14 : index
    %get3A_407 = arith.constant 0 : index
    %get3A_408 = arith.constant 0 : index
    %get3A_409 = vector.load %arg2[%get3A_405, %get3A_406, %get3A_407, %get3A_408] : memref<1x16x3x5120xf32, #tpu.memory_space<vmem>>, vector<1x1x3x5120xf32>
    %get3A_410 = vector.shape_cast %get3A_409 : vector<1x1x3x5120xf32> to vector<3x5120xf32>
    %slice3A_411 = vector.extract_strided_slice %get3A_410 {offsets = [0, 0], sizes = [1, 5120], strides = [1, 1]} : vector<3x5120xf32> to vector<1x5120xf32>
    %integer_pow3A_412 = arith.mulf %slice3A_411, %slice3A_411 : vector<1x5120xf32>
    %slice3A_413 = vector.extract_strided_slice %get3A_410 {offsets = [1, 0], sizes = [1, 5120], strides = [1, 1]} : vector<3x5120xf32> to vector<1x5120xf32>
    %integer_pow3A_414 = arith.mulf %slice3A_413, %slice3A_413 : vector<1x5120xf32>
    %add3A_415 = arith.addf %integer_pow3A_412, %integer_pow3A_414 : vector<1x5120xf32>
    %slice3A_416 = vector.extract_strided_slice %get3A_410 {offsets = [2, 0], sizes = [1, 5120], strides = [1, 1]} : vector<3x5120xf32> to vector<1x5120xf32>
    %integer_pow3A_417 = arith.mulf %slice3A_416, %slice3A_416 : vector<1x5120xf32>
    %add3A_418 = arith.addf %add3A_415, %integer_pow3A_417 : vector<1x5120xf32>
    %sqrt3A_419 = math.sqrt %add3A_418 : vector<1x5120xf32>
    %max3A_420 = arith.constant 9.99999996E-13 : f32
    %max3A_421 = vector.broadcast %max3A_420 : f32 to vector<1x5120xf32>
    %max3A_422 = arith.maximumf %sqrt3A_419, %max3A_421 : vector<1x5120xf32>
    %div3A_423 = arith.constant 1.000000e+00 : f32
    %div3A_424 = vector.broadcast %div3A_423 : f32 to vector<1x5120xf32>
    %div3A_425 = arith.divf %div3A_424, %max3A_422 : vector<1x5120xf32>
    %convert_element_type3A_426 = arith.truncf %div3A_5 : vector<256x3xf32> to vector<256x3xbf16>
    %mul3A_427 = vector.broadcast %div3A_425 : vector<1x5120xf32> to vector<3x5120xf32>
    %mul3A_428 = arith.mulf %get3A_410, %mul3A_427 : vector<3x5120xf32>
    %convert_element_type3A_429 = arith.truncf %mul3A_428 : vector<3x5120xf32> to vector<3x5120xbf16>
    %dot_general3A_430 = arith.constant dense<0.000000e+00> : vector<256x5120xf32>
    %dot_general3A_431 = tpu.matmul %convert_element_type3A_426, %convert_element_type3A_429, %dot_general3A_430 {dimension_numbers = #tpu.dot_dimension_numbers<[1], [0], [0], [1], [0, 0, 1, 1], [], []>, transpose_lhs_hint = false} : vector<256x3xbf16>, vector<3x5120xbf16>, vector<256x5120xf32> -> vector<256x5120xf32>
    %max3A_432 = arith.maximumf %max3A_403, %dot_general3A_431 : vector<256x5120xf32>
    %max3A_433 = arith.maximumf %max3A_404, %sqrt3A_419 : vector<1x5120xf32>
    %get3A_434 = arith.constant 0 : index
    %get3A_435 = arith.constant 15 : index
    %get3A_436 = arith.constant 0 : index
    %get3A_437 = arith.constant 0 : index
    %get3A_438 = vector.load %arg2[%get3A_434, %get3A_435, %get3A_436, %get3A_437] : memref<1x16x3x5120xf32, #tpu.memory_space<vmem>>, vector<1x1x3x5120xf32>
    %get3A_439 = vector.shape_cast %get3A_438 : vector<1x1x3x5120xf32> to vector<3x5120xf32>
    %slice3A_440 = vector.extract_strided_slice %get3A_439 {offsets = [0, 0], sizes = [1, 5120], strides = [1, 1]} : vector<3x5120xf32> to vector<1x5120xf32>
    %integer_pow3A_441 = arith.mulf %slice3A_440, %slice3A_440 : vector<1x5120xf32>
    %slice3A_442 = vector.extract_strided_slice %get3A_439 {offsets = [1, 0], sizes = [1, 5120], strides = [1, 1]} : vector<3x5120xf32> to vector<1x5120xf32>
    %integer_pow3A_443 = arith.mulf %slice3A_442, %slice3A_442 : vector<1x5120xf32>
    %add3A_444 = arith.addf %integer_pow3A_441, %integer_pow3A_443 : vector<1x5120xf32>
    %slice3A_445 = vector.extract_strided_slice %get3A_439 {offsets = [2, 0], sizes = [1, 5120], strides = [1, 1]} : vector<3x5120xf32> to vector<1x5120xf32>
    %integer_pow3A_446 = arith.mulf %slice3A_445, %slice3A_445 : vector<1x5120xf32>
    %add3A_447 = arith.addf %add3A_444, %integer_pow3A_446 : vector<1x5120xf32>
    %sqrt3A_448 = math.sqrt %add3A_447 : vector<1x5120xf32>
    %max3A_449 = arith.constant 9.99999996E-13 : f32
    %max3A_450 = vector.broadcast %max3A_449 : f32 to vector<1x5120xf32>
    %max3A_451 = arith.maximumf %sqrt3A_448, %max3A_450 : vector<1x5120xf32>
    %div3A_452 = arith.constant 1.000000e+00 : f32
    %div3A_453 = vector.broadcast %div3A_452 : f32 to vector<1x5120xf32>
    %div3A_454 = arith.divf %div3A_453, %max3A_451 : vector<1x5120xf32>
    %convert_element_type3A_455 = arith.truncf %div3A_5 : vector<256x3xf32> to vector<256x3xbf16>
    %mul3A_456 = vector.broadcast %div3A_454 : vector<1x5120xf32> to vector<3x5120xf32>
    %mul3A_457 = arith.mulf %get3A_439, %mul3A_456 : vector<3x5120xf32>
    %convert_element_type3A_458 = arith.truncf %mul3A_457 : vector<3x5120xf32> to vector<3x5120xbf16>
    %dot_general3A_459 = arith.constant dense<0.000000e+00> : vector<256x5120xf32>
    %dot_general3A_460 = tpu.matmul %convert_element_type3A_455, %convert_element_type3A_458, %dot_general3A_459 {dimension_numbers = #tpu.dot_dimension_numbers<[1], [0], [0], [1], [0, 0, 1, 1], [], []>, transpose_lhs_hint = false} : vector<256x3xbf16>, vector<3x5120xbf16>, vector<256x5120xf32> -> vector<256x5120xf32>
    %max3A_461 = arith.maximumf %max3A_432, %dot_general3A_460 : vector<256x5120xf32>
    %max3A_462 = arith.maximumf %max3A_433, %sqrt3A_448 : vector<1x5120xf32>
    %max3A_463 = arith.constant 0.000000e+00 : f32
    %max3A_464 = vector.broadcast %max3A_463 : f32 to vector<256x5120xf32>
    %max3A_465 = arith.maximumf %max3A_461, %max3A_464 : vector<256x5120xf32>
    %get3A_466 = arith.constant 0 : index
    %get3A_467 = arith.constant 0 : index
    %get3A_468 = vector.load %arg4[%get3A_466, %get3A_467] : memref<256x1xf32, #tpu.memory_space<vmem>>, vector<256x1xf32>
    %mul3A_469 = vector.broadcast %get3A_468 : vector<256x1xf32> to vector<256x5120xf32>
    %mul3A_470 = vector.broadcast %max3A_462 : vector<1x5120xf32> to vector<256x5120xf32>
    %mul3A_471 = arith.mulf %mul3A_469, %mul3A_470 : vector<256x5120xf32>
    %max3A_472 = arith.constant 0.000000e+00 : f32
    %max3A_473 = vector.broadcast %max3A_472 : f32 to vector<256x5120xf32>
    %max3A_474 = arith.maximumf %mul3A_471, %max3A_473 : vector<256x5120xf32>
    %add3A_475 = arith.addf %max3A_465, %max3A_474 : vector<256x5120xf32>
    %slice3A_476 = vector.extract_strided_slice %add3A_475 {offsets = [0, 0], sizes = [128, 5120], strides = [1, 1]} : vector<256x5120xf32> to vector<128x5120xf32>
    %slice3A_477 = vector.extract_strided_slice %add3A_475 {offsets = [128, 0], sizes = [128, 5120], strides = [1, 1]} : vector<256x5120xf32> to vector<128x5120xf32>
    %add3A_478 = arith.addf %slice3A_476, %slice3A_477 : vector<128x5120xf32>
    %transpose3A = tpu.transpose %add3A_478, [1, 0] : vector<128x5120xf32> -> vector<5120x128xf32>
    %swap3A = arith.constant 0 : index
    %swap3A_479 = arith.constant 0 : index
    %swap3A_480 = arith.constant 0 : index
    %swap3A_481 = vector.load %arg5[%swap3A, %swap3A_479, %swap3A_480] : memref<1x5120x128xf32, #tpu.memory_space<vmem>>, vector<1x5120x128xf32>
    %swap3A_482 = vector.shape_cast %swap3A_481 : vector<1x5120x128xf32> to vector<5120x128xf32>
    %swap3A_483 = vector.shape_cast %transpose3A : vector<5120x128xf32> to vector<1x5120x128xf32>
    tpu.vector_store %arg5[%swap3A, %swap3A_479, %swap3A_480], %swap3A_483 {strides = array<i32>} : memref<1x5120x128xf32, #tpu.memory_space<vmem>>, vector<1x5120x128xf32>,
    return
  }
  func.func @transform_0(%arg0: i32, %arg1: i32) -> (i32, i32, i32, i32) {
    %c0_i32 = arith.constant 0 : i32
    %c0_i32_0 = arith.constant 0 : i32
    %c0_i32_1 = arith.constant 0 : i32
    return %arg0, %c0_i32, %c0_i32_0, %arg1 : i32, i32, i32, i32
  }
  func.func @transform_1(%arg0: i32, %arg1: i32) -> (i32, i32) {
    %c0_i32 = arith.constant 0 : i32
    %c0_i32_0 = arith.constant 0 : i32
    %c0_i32_1 = arith.constant 0 : i32
    return %c0_i32, %c0_i32_0 : i32, i32
  }
  func.func @transform_2(%arg0: i32, %arg1: i32) -> (i32, i32) {
    %c0_i32 = arith.constant 0 : i32
    %c0_i32_0 = arith.constant 0 : i32
    %c0_i32_1 = arith.constant 0 : i32
    return %c0_i32, %c0_i32_0 : i32, i32
  }
  func.func @transform_3(%arg0: i32, %arg1: i32) -> (i32, i32, i32) {
    %c0_i32 = arith.constant 0 : i32
    %c0_i32_0 = arith.constant 0 : i32
    return %arg0, %arg1, %c0_i32 : i32, i32, i32
  }
}

</mosaic_0001>

<sc_bundles>
// kernel: kernel.4.cloned.1.call-start
scs
__scs_entry_jumppad:
0x0: {  	(pc) =	sbr.rel $0x88, $3  }
0x1: {  	(tag) =	ssettag $0x0;
	lr =	simm.s32 $0x1  }
0x2: {  	[smem:$0x3F9D] =	sst lr;
	_ =	strace $0xD0000000  }
0x3: {  	_ = 	snop  }
0x4: {  	_ = 	snop  }
0x5: {  	_ = 	snop  }
0x6: {  	_ = 	snop  }
0x7: {  	_ = 	snop  }
__scs_overlays_trampoline_lowered:
0x8: {  	[smem:$0x3FAC] =	sst s0  }
0x9: {  	[smem:$0x3FAD] =	sst s1  }
0xa: {  	[smem:$0x3FAE] =	sst s2  }
0xb: {  	[smem:$0x3FAF] =	sst s3  }
0xc: {  	[smem:$0x3FB0] =	sst s4  }
0xd: {  	[smem:$0x3FB1] =	sst s5  }
0xe: {  	[smem:$0x3FB2] =	sst s6  }
0xf: {  	[smem:$0x3FB3] =	sst s7  }
0x10: {  	[smem:$0x3FB4] =	sst s8  }
0x11: {  	[smem:$0x3FB5] =	sst s9;
	s0 =	simm.s32 @!p0 $0x0  }
0x12: {  	s1 =	sld [smem:$0x3F9B];
	s0 =	simm.s32 @p0 $0x1  }
0x13: {  	[smem:$0x3FB6] =	sst s0;
	s0 =	simm.s32 @!p1 $0x0  }
0x14: {  	s2 =	sld [smem:$0x3F9A];
	s0 =	simm.s32 @p1 $0x1  }
0x15: {  	[smem:$0x3FB7] =	sst s0;
	s0 =	simm.s32 @!p2 $0x0  }
0x16: {  	s3 =	sld [smem:$0x3FDB];
	s0 =	simm.s32 @p2 $0x1  }
0x17: {  	s4 =	simm.s32 $0x1BF5;
	[smem:$0x3FB9] =	sst s0  }
0x18: {  	s0 =	sld [smem:$0x3F9C];
	_ =	swait.ge [sflag:s4], $0x0  }
0x19: {  	s7 =	sld [smem:$0x3F9D]  }
0x1a: {  	s8 =	sadd.s32 $0xFFFFE003, lr  }
0x1b: {  	s9 =	sadd.s32 $0xFFFFFEF7, lr;
	s5 =	simm.s32 $0xFFFFFFFF;
	p2 =	slt.u32 s8, $0xFFFFF086  }
0x1c: {  	p1 =	slt.u32 s9, $0xF7A;
	s5 =	simm.s32 @!p2 $0x0  }
0x1d: {  	s5 =	simm.s32 @p1 $0x1;
	p0 =	seq.s32 s7, s2  }
0x1e: {  	s7 =	smul.u32 @!p0 $0xF7A, s2;
	p2 =	seq.s32 @!p0 s5, $0x0  }
0x1f: {  	s9 =	smul.u32 $0xF7A, s1;
	s8 =	simm.s32 @!p0 $0x1BF5;
	p2 =	por !p2, p0  }
0x20: {  	[sflag:s8] =	ssyncset.s32 @!p0 $0xFFFFF086;
	s6 =	sadd.s32 @!p0 s3, s7;
	s7 =	simm.s32 @!p0 $0x108  }
0x21: {  	s3 =	sadd.s32 s3, s9;
	s6 =	sadd.s32 @!p0 $0x88, s6;
	s7 =	simm.s32 @p2 $0x1082  }
0x22: {  	[simem:s7], [sflag:s8] =	dma.local @!p0 [hbm:s6], $0xF7A  }
0x23: {  	s9 =	sor.u32 $0xD0000000, s2;
	s6 =	simm.s32 $0x108;
	_ =	swait.ge @!p0 [sflag:s8], $0x0  }
0x24: {  	s3 =	sadd.s32 $0x88, s3;
	s6 =	simm.s32 @!p1 $0x1082;
	[sflag:s4] =	ssyncset.s32 $0xFFFFF086  }
0x25: {  	[simem:s6], [sflag:s4] =	dma.local [hbm:s3], $0xF7A  }
0x26: {  	[smem:$0x3F9D] =	sst s1;
	(tag) =	ssettag s2;
	_ =	strace s9  }
0x27: {  	s1 =	sld [smem:$0x3FAD]  }
0x28: {  	s2 =	sld [smem:$0x3FAE]  }
0x29: {  	s4 =	sld [smem:$0x3FB0]  }
0x2a: {  	p0 =	seq.s32 s5, $0x0;
	s5 =	sld [smem:$0x3FB1]  }
0x2b: {  	s6 =	sld [smem:$0x3FB2]  }
0x2c: {  	s7 =	sld [smem:$0x3FB3]  }
0x2d: {  	s3 =	simm.s32 $0x108;
	s8 =	sld [smem:$0x3FB4]  }
0x2e: {  	s3 =	simm.s32 @!p0 $0x1082;
	s9 =	sld [smem:$0x3FB5]  }
0x2f: {  	lr =	sadd.s32 s0, s3;
	s0 =	sld [smem:$0x3FAC]  }
0x30: {  	s3 =	sld [smem:$0x3FAF]  }
0x31: {  	[smem:$0x3FB8] =	sst s10  }
0x32: {  	s10 =	sld [smem:$0x3FB6];
	_ =	sdelay $0x3  }
0x33: {  	p0 =	seq.s32 s10, $0x1;
	s10 =	sld [smem:$0x3FB8];
	_ =	sdelay $0x3  }
0x34: {  	[smem:$0x3FB8] =	sst s10  }
0x35: {  	s10 =	sld [smem:$0x3FB7];
	_ =	sdelay $0x3  }
0x36: {  	p1 =	seq.s32 s10, $0x1;
	s10 =	sld [smem:$0x3FB8];
	_ =	sdelay $0x3  }
0x37: {  	[smem:$0x3FB8] =	sst s10  }
0x38: {  	s10 =	sld [smem:$0x3FB9]  }
0x39: {  	_ = 	snop;
	(pc) =	sbr.ind lr, $3  }
0x3a: {  	_ = 	snop  }
0x3b: {  	_ = 	snop  }
0x3c: {  	p2 =	seq.s32 s10, $0x1;
	s10 =	sld [smem:$0x3FB8]  }
0x3d: {  	_ =	shalt  }
0x3e: {  	_ =	shalt  }
0x3f: {  	_ =	shalt  }
0x40: {  	_ =	shalt  }
0x41: {  	_ =	shalt  }
0x42: {  	_ =	shalt  }
0x43: {  	_ =	shalt  }
0x44: {  	_ =	shalt  }
0x45: {  	_ =	shalt  }
0x46: {  	_ =	shalt  }
0x47: {  	_ =	shalt  }
0x48: {  	_ =	shalt  }
0x49: {  	_ =	shalt  }
0x4a: {  	_ =	shalt  }
0x4b: {  	_ =	shalt  }
0x4c: {  	_ =	shalt  }
0x4d: {  	_ =	shalt  }
0x4e: {  	_ =	shalt  }
0x4f: {  	_ =	shalt  }
0x50: {  	_ =	shalt  }
0x51: {  	_ =	shalt  }
0x52: {  	_ =	shalt  }
0x53: {  	_ =	shalt  }
0x54: {  	_ =	shalt  }
0x55: {  	_ =	shalt  }
0x56: {  	_ =	shalt  }
0x57: {  	_ =	shalt  }
0x58: {  	_ =	shalt  }
0x59: {  	_ =	shalt  }
0x5a: {  	_ =	shalt  }
0x5b: {  	_ =	shalt  }
0x5c: {  	_ =	shalt  }
0x5d: {  	_ =	shalt  }
0x5e: {  	_ =	shalt  }
0x5f: {  	_ =	shalt  }
0x60: {  	_ =	shalt  }
0x61: {  	_ =	shalt  }
0x62: {  	_ =	shalt  }
0x63: {  	_ =	shalt  }
0x64: {  	_ =	shalt  }
0x65: {  	_ =	shalt  }
0x66: {  	_ =	shalt  }
0x67: {  	_ =	shalt  }
0x68: {  	_ =	shalt  }
0x69: {  	_ =	shalt  }
0x6a: {  	_ =	shalt  }
0x6b: {  	_ =	shalt  }
0x6c: {  	_ =	shalt  }
0x6d: {  	_ =	shalt  }
0x6e: {  	_ =	shalt  }
0x6f: {  	_ =	shalt  }
0x70: {  	_ =	shalt  }
0x71: {  	_ =	shalt  }
0x72: {  	_ =	shalt  }
0x73: {  	_ =	shalt  }
0x74: {  	_ =	shalt  }
0x75: {  	_ =	shalt  }
0x76: {  	_ =	shalt  }
0x77: {  	_ =	shalt  }
0x78: {  	_ =	shalt  }
0x79: {  	_ =	shalt  }
0x7a: {  	_ =	shalt  }
0x7b: {  	_ =	shalt  }
0x7c: {  	_ =	shalt  }
0x7d: {  	_ =	shalt  }
0x7e: {  	_ =	shalt  }
0x7f: {  	_ =	shalt  }
0x80: {  	_ =	shalt  }
0x81: {  	_ =	shalt  }
0x82: {  	_ =	shalt  }
0x83: {  	_ =	shalt  }
0x84: {  	_ =	shalt  }
0x85: {  	_ =	shalt  }
0x86: {  	_ =	shalt  }
0x87: {  	_ =	shalt  }
.Lfunc_end0:
.L_simem_size_0:
called_computation_lowered:
.L_overlay_start_0:
0x88: {  	s2 =	sld [smem:$0x3FD9]  }
0x89: {  	s3 =	sld [smem:$0x3FFE];
	_ =	sdelay $0x1  }
0x8a: {  	s1 =	srdreg.scid  }
0x8b: {  	s0 =	sand.u32 $0x1, s1  }
0x8c: {  	s17 =	sshll.u32 s0, $0xA;
	s2 =	sadd.s32 s3, s2  }
0x8d: {  	s2 =	sadd.s32 s2, s17  }
0x8e: {  	[smem:$0x3FC4] =	sst s2  }
0x8f: {  	_ = 	snop  }
0x90: {  	s2 =	sld [smem:$0x3FD0];
	(tm) =	ssettm $0x1  }
0x91: {  	s18 =	sld [smem:$0x3FFB];
	_ =	sdelay $0x3  }
0x92: {  	_ =	strace s18  }
0x93: {  	s3 =	sld [smem:$0x3FFC];
	_ =	sdelay $0x3  }
0x94: {  	_ =	strace s3  }
0x95: {  	s3 =	sld [smem:$0x3FFD];
	_ =	sdelay $0x3  }
0x96: {  	_ =	strace s3  }
0x97: {  	_ =	strace $0x8FFFFFFF  }
0x98: {  	s19 =	sld [smem:$0x3FDB];
	_ =	sdelay $0x1  }
0x99: {  	s4 =	simm.s32 $_scs_section_size  }
0x9a: {  	s5 =	simm.s32 $_size__tile_overlayer_lowered;
	s6 =	simm.s32 $_tile_overlayer_lowered  }
0x9b: {  	s22 =	simm.s32 $0x1BFF;
	s21 =	sshll.u32 s6, $0x1;
	s3 =	sadd.s32 s4, s19  }
0x9c: {  	s7 =	simm.s32 $0x0;
	s20 =	sshll.u32 s5, $0x1;
	s5 =	sadd.s32 s21, s3  }
0x9d: {  	[timem:s7], [sflag:s22] =	dma.local [hbm:s5], s20  }
0x9e: {  	_ =	swait.ge [sflag:s22], s20  }
0x9f: {  	s4 =	ssub.s32 $0x0, s20;
	[sflag:s22] =	ssyncset.done $0x0  }
0xa0: {  	[sflag:s22] =	ssyncadd.s32 s4;
	_ =	sdelay $0x1  }
0xa1: {  	s23 =	simm.s32 $0x1B8B  }
0xa2: {  	_ =	swait.ge [sflag:s23], $0x1  }
0xa3: {  	[sflag:s23] =	ssyncset.done $0x0  }
0xa4: {  	s25 =	simm.s32 $0x1B8E;
	s24 =	sld [smem:$0x3FFE];
	[sflag:s23] =	ssyncadd.s32 $0xFFFFFFFF  }
0xa5: {  	s26 =	simm.s32 $execute0_lowered;
	[smem:$0x3FD2] =	sst s25  }
0xa6: {  	s5 =	sshll.u32 s26, $0x1;
	_ =	strace $0x80000046;
	[dreg:$0x1] =	wrdreg $0xFFFFFFFF  }
0xa7: {  	s28 =	simm.s32 $_size_execute0_lowered;
	s3 =	sadd.s32 s3, s5;
	[dreg:$0x0] =	wrdreg $0x0  }
0xa8: {  	s5 =	sshll.u32 s28, $0x1;
	[dreg:$0x2] =	wrdreg s3  }
0xa9: {  	[dreg:$0x3] =	wrdreg s5  }
0xaa: {  	[dreg:$0x4] =	wrdreg $0xC0  }
0xab: {  	_ =	task [dreg:s7], $0x5FFFF  }
0xac: {  	[dreg:$0x1] =	wrdreg $0xFFFFFFFF  }
0xad: {  	[dreg:$0x0] =	wrdreg $0x60  }
0xae: {  	[dreg:$0x2] =	wrdreg s24  }
0xaf: {  	[dreg:$0x3] =	wrdreg s2  }
0xb0: {  	[dreg:$0x4] =	wrdreg $0x9  }
0xb1: {  	_ =	task.clear_ibuf [dreg:s7], $0x5FFFF;
	_ =	strace $0x90000046  }
0xb2: {  	s29 =	simm.s32 $0x9;
	_ =	strace $0x80000048  }
0xb3: {  	_ =	swait.ge [sflag:s29], $0x1  }
0xb4: {  	[sflag:s29] =	ssyncadd.s32 $0xFFFFFFFF  }
0xb5: {  	_ =	strace $0x90000048  }
0xb6: {  	_ =	sfence  }
0xb7: {  	s30 =	sld [smem:$0x0];
	_ =	sdelay $0x2  }
0xb8: {  	s31 =	sshll.u32 s1, $0xD;
	s1 =	sshrl.u32 s1, $0x2  }
0xb9: {  	s3 =	sand.u32 $0x4000, s31;
	s1 =	sadd.s32 s1, s30  }
0xba: {  	s0 =	sor.u32 s3, s0;
	s1 =	sshll.u32 s1, $0x11  }
0xbb: {  	s0 =	sor.u32 s1, s0  }
0xbc: {  	s0 =	sadd.s32 $0x8F2B, s0  }
0xbd: {  	[sflag:s0] =	ssyncadd.remote.s32 $0x1  }
0xbe: {  	_ =	sfence.sel $0xFFFF  }
0xbf: {  	[dreg:$0x0] =	wrdreg $0xFFFFFFFF;
	(pc) =	sbr.abs _section_cstart, $3  }
0xc0: {  	[dreg:$0x1] =	wrdreg $0xFFFFFFFF  }
0xc1: {  	_ =	task.clear_ibuf [dreg:s7], $0x2FFFF;
	_ =	strace $0x9FFFFFFF  }
0xc2: {  	(tm) =	ssettm $0x7FFFFFFF  }
0xc3: {  	_ =	shalt  }
tec
execute0_lowered:
.L_overlay_start_1:
0x0: {  	(tag) =	ssettag $0x1  }
0x1: {  	s0 =	stileid.u32;
	s6 =	rddreg [dreg:$0x0]  }
0x2: {  	s1 =	srdreg.scid;
	s7 =	rddreg [dreg:$0x1];
	s13 =	simm.s32 $0x9E00  }
0x3: {  	s14 =	simm.s32 $0x0;
	s2 =	sshll.u32 s0, $0x1;
	s4 =	sshrl.u32 s0, $0x3  }
0x4: {  	s3 =	sand.u32 $0x1, s1;
	s11 =	sadd.s32 $0xA00, s6;
	s9 =	smul.u32 $0xEA6, s4  }
0x5: {  	s25 =	sand.u32 $0xE, s2;
	s26 =	sshll.u32 s4, $0x4;
	s10 =	smul.u32 $0x7530, s4  }
0x6: {  	s2 =	simm.s32 $0x0;
	s4 =	smul.u32 $0x9E000, s4;
	s5 =	sor.u32 s3, s25  }
0x7: {  	[smem:$0x7FF] =	sst s2;
	s3 =	ssub.s32 $0x2, s3;
	s1 =	sor.u32 s26, s5  }
0x8: {  	s12 =	sshrl.u32 s3, $0x1;
	s5 =	smul.u32 $0x9E00, s5;
	s10 =	sshrl.u32 s10, $0x3  }
0x9: {  	s8 =	smul.u32 $0x4E2, s1;
	s1 =	rddreg [dreg:$0x2];
	_ =	strace $0x80000047  }
0xa: {  	s28 =	ssub.s32 s3, s12;
	s3 =	sadd.s32 s11, s9;
	s29 =	sadd.s32 s11, s10  }
0xb: {  	s9 =	simm.s32 $0x1;
	s10 =	simm.s32 $0x2780;
	s11 =	simm.s32 $0x4F00  }
0xc: {  	s12 =	simm.s32 $0x7680;
	s30 =	sadd.s32 s4, s5;
	s4 =	sadd.s32 $0x4E2, s29  }
0xd: {  	s5 =	sadd.s32 $0x9C4, s29;
	s6 =	sadd.s32 s8, s6;
	s31 =	sshrl.u32 s30, $0x3  }
0xe: {  	s8 =	smax.u32 s28, $0x1;
	s6 =	sadd.s32 $0x2800, s6;
	s7 =	sadd.s32 s7, s31  }
.LBB2_1:
0xf: {  	[tilespmem:s2], [sflag:$0x1] =	stream.linear.gather [hbm4b:s3+s2], $0x2710, $0x38;
	[tilespmem:$0x13C00] =	vst v63  }
0x10: {  	_ =	swait.ge [sflag:s9], $0x2710  }
0x11: {  	[sflag:s9] =	ssyncset.done $0x0  }
0x12: {  	[sflag:s9] =	ssyncadd.s32 $0xFFFFD8F0  }
0x13: {  	[tilespmem:s10], [sflag:$0x1] =	stream.linear.gather [hbm4b:s4+s2], $0x2710, $0x38;
	[tilespmem:$0x13C00] =	vst v63  }
0x14: {  	_ =	swait.ge [sflag:s9], $0x2710  }
0x15: {  	[sflag:s9] =	ssyncset.done $0x0  }
0x16: {  	[sflag:s9] =	ssyncadd.s32 $0xFFFFD8F0  }
0x17: {  	[tilespmem:s11], [sflag:$0x1] =	stream.linear.gather [hbm4b:s5+s2], $0x2710, $0x38;
	[tilespmem:$0x13C00] =	vst v63  }
0x18: {  	_ =	swait.ge [sflag:s9], $0x2710  }
0x19: {  	[sflag:s9] =	ssyncset.done $0x0  }
0x1a: {  	[sflag:s9] =	ssyncadd.s32 $0xFFFFD8F0  }
0x1b: {  	[tilespmem:s12], [sflag:$0x1] =	stream.linear.gather [hbm4b:s6+s2], $0x2710, $0x38;
	[tilespmem:$0x13C00] =	vst v63  }
0x1c: {  	_ =	swait.ge [sflag:s9], $0x2710  }
0x1d: {  	[sflag:s9] =	ssyncset.done $0x0  }
0x1e: {  	s15 =	simm.s32 $0x0;
	s16 =	simm.s32 $0x0;
	[sflag:s9] =	ssyncadd.s32 $0xFFFFD8F0  }
.LBB2_2:
0x1f: {  	s17 =	sshra.s32 s16, $0x2  }
0x20: {  	v0 =	vld [tilespmem:s17+$0x7680];
	_ =	sdelay $0x6  }
0x21: {  	v2 =	vld [tilespmem:s17+$0x0]  }
0x22: {  	v1 =	vld.idx.msk [tilespmem:v0+s2+$0x0], $0xffff;
	_ =	sdelay $0x4  }
0x23: {  	s18 =	sand.u32 $0x70, s15;
	s19 =	sand.u32 $0xFE00, s16;
	v1 =	vsub.f32 v1, v2  }
0x24: {  	s18 =	sor.u32 s18, s19  }
0x25: {  	[tilespmem:s18+$0x9E00] =	vst v1  }
0x26: {  	v1 =	vld.idx.msk [tilespmem:v0+s10+$0x0], $0xffff  }
0x27: {  	v51 =	vld [tilespmem:s17+$0x2780];
	_ =	sdelay $0x4  }
0x28: {  	v1 =	vsub.f32 v1, v51;
	_ =	sdelay $0x1  }
0x29: {  	[tilespmem:s18+$0x9E80] =	vst v1  }
0x2a: {  	v0 =	vld.idx.msk [tilespmem:v0+s11+$0x0], $0xffff  }
0x2b: {  	v1 =	vld [tilespmem:s17+$0x4F00];
	_ =	sdelay $0x4  }
0x2c: {  	v0 =	vsub.f32 v0, v1;
	_ =	sdelay $0x1  }
0x2d: {  	[tilespmem:s18+$0x9F00] =	vst v0  }
0x2e: {  	v0 =	vld [tilespmem:s17+$0x7690];
	_ =	sdelay $0x6  }
0x2f: {  	v53 =	vld [tilespmem:s17+$0x10]  }
0x30: {  	v52 =	vld.idx.msk [tilespmem:v0+s2+$0x0], $0xffff;
	_ =	sdelay $0x3  }
0x31: {  	s23 =	sadd.s32 $0x10, s15;
	s24 =	sadd.s32 $0x40, s16  }
0x32: {  	s19 =	sand.u32 $0x1FE00, s24;
	s18 =	sand.u32 $0x70, s23;
	v1 =	vsub.f32 v52, v53  }
0x33: {  	s18 =	sor.u32 s18, s19  }
0x34: {  	[tilespmem:s18+$0x9E00] =	vst v1  }
0x35: {  	v1 =	vld.idx.msk [tilespmem:v0+s10+$0x0], $0xffff  }
0x36: {  	v54 =	vld [tilespmem:s17+$0x2790];
	_ =	sdelay $0x4  }
0x37: {  	v1 =	vsub.f32 v1, v54;
	_ =	sdelay $0x1  }
0x38: {  	[tilespmem:s18+$0x9E80] =	vst v1  }
0x39: {  	v0 =	vld.idx.msk [tilespmem:v0+s11+$0x0], $0xffff  }
0x3a: {  	v1 =	vld [tilespmem:s17+$0x4F10];
	_ =	sdelay $0x4  }
0x3b: {  	v0 =	vsub.f32 v0, v1;
	_ =	sdelay $0x1  }
0x3c: {  	[tilespmem:s18+$0x9F00] =	vst v0  }
0x3d: {  	v0 =	vld [tilespmem:s17+$0x76A0];
	_ =	sdelay $0x6  }
0x3e: {  	v56 =	vld [tilespmem:s17+$0x20]  }
0x3f: {  	v55 =	vld.idx.msk [tilespmem:v0+s2+$0x0], $0xffff;
	_ =	sdelay $0x3  }
0x40: {  	s25 =	sadd.s32 $0x20, s15;
	s26 =	sadd.s32 $0x80, s16  }
0x41: {  	s19 =	sand.u32 $0x1FE00, s26;
	s18 =	sand.u32 $0x70, s25;
	v1 =	vsub.f32 v55, v56  }
0x42: {  	s18 =	sor.u32 s18, s19  }
0x43: {  	[tilespmem:s18+$0x9E00] =	vst v1  }
0x44: {  	v1 =	vld.idx.msk [tilespmem:v0+s10+$0x0], $0xffff  }
0x45: {  	v57 =	vld [tilespmem:s17+$0x27A0];
	_ =	sdelay $0x4  }
0x46: {  	v1 =	vsub.f32 v1, v57;
	_ =	sdelay $0x1  }
0x47: {  	[tilespmem:s18+$0x9E80] =	vst v1  }
0x48: {  	v0 =	vld.idx.msk [tilespmem:v0+s11+$0x0], $0xffff  }
0x49: {  	v1 =	vld [tilespmem:s17+$0x4F20];
	_ =	sdelay $0x4  }
0x4a: {  	v0 =	vsub.f32 v0, v1;
	_ =	sdelay $0x1  }
0x4b: {  	[tilespmem:s18+$0x9F00] =	vst v0  }
0x4c: {  	v0 =	vld [tilespmem:s17+$0x76B0];
	_ =	sdelay $0x6  }
0x4d: {  	v59 =	vld [tilespmem:s17+$0x30]  }
0x4e: {  	v58 =	vld.idx.msk [tilespmem:v0+s2+$0x0], $0xffff;
	_ =	sdelay $0x3  }
0x4f: {  	s28 =	sadd.s32 $0x30, s15;
	s29 =	sadd.s32 $0xC0, s16  }
0x50: {  	s19 =	sand.u32 $0x1FE00, s29;
	s18 =	sand.u32 $0x70, s28;
	v1 =	vsub.f32 v58, v59  }
0x51: {  	s18 =	sor.u32 s18, s19  }
0x52: {  	[tilespmem:s18+$0x9E00] =	vst v1  }
0x53: {  	v1 =	vld.idx.msk [tilespmem:v0+s10+$0x0], $0xffff  }
0x54: {  	v60 =	vld [tilespmem:s17+$0x27B0];
	_ =	sdelay $0x4  }
0x55: {  	v1 =	vsub.f32 v1, v60;
	_ =	sdelay $0x1  }
0x56: {  	[tilespmem:s18+$0x9E80] =	vst v1  }
0x57: {  	v0 =	vld.idx.msk [tilespmem:v0+s11+$0x0], $0xffff  }
0x58: {  	v1 =	vld [tilespmem:s17+$0x4F30];
	_ =	sdelay $0x4  }
0x59: {  	v0 =	vsub.f32 v0, v1;
	_ =	sdelay $0x1  }
0x5a: {  	[tilespmem:s18+$0x9F00] =	vst v0  }
0x5b: {  	v0 =	vld [tilespmem:s17+$0x76C0];
	_ =	sdelay $0x6  }
0x5c: {  	v62 =	vld [tilespmem:s17+$0x40]  }
0x5d: {  	v61 =	vld.idx.msk [tilespmem:v0+s2+$0x0], $0xffff;
	_ =	sdelay $0x3  }
0x5e: {  	s30 =	sadd.s32 $0x40, s15;
	s31 =	sadd.s32 $0x100, s16  }
0x5f: {  	s19 =	sand.u32 $0x1FE00, s31;
	s18 =	sand.u32 $0x70, s30;
	v1 =	vsub.f32 v61, v62  }
0x60: {  	s18 =	sor.u32 s18, s19  }
0x61: {  	[tilespmem:s18+$0x9E00] =	vst v1  }
0x62: {  	v1 =	vld.idx.msk [tilespmem:v0+s10+$0x0], $0xffff  }
0x63: {  	v63 =	vld [tilespmem:s17+$0x27C0];
	_ =	sdelay $0x4  }
0x64: {  	v1 =	vsub.f32 v1, v63;
	_ =	sdelay $0x1  }
0x65: {  	[tilespmem:s18+$0x9E80] =	vst v1  }
0x66: {  	v0 =	vld.idx.msk [tilespmem:v0+s11+$0x0], $0xffff  }
0x67: {  	v1 =	vld [tilespmem:s17+$0x4F40];
	_ =	sdelay $0x1  }
0x68: {  	p0 =	sne.s32 s16, $0x9B00  }
.Ltmp0:
0x69: {  	_ = 	snop;
	(pc) =	sbr.rel @p0 .LBB2_2-.Ltmp0, $3  }
0x6a: {  	_ = 	snop  }
0x6b: {  	v0 =	vsub.f32 v0, v1;
	_ =	sdelay $0x1  }
0x6c: {  	s15 =	sadd.s32 $0x50, s15;
	s16 =	sadd.s32 $0x140, s16;
	[tilespmem:s18+$0x9F00] =	vst v0  }
0x6d: {  	s14 =	sadd.s32 $0x1, s14  }
0x6e: {  	p0 =	sne.s32 s14, s8  }
.Ltmp1:
0x6f: {  	_ = 	snop;
	(pc) =	sbr.rel @p0 .LBB2_1-.Ltmp1, $4  }
0x70: {  	[hbm4b:s7+s2] =	stream.linear.scatter [tilespmem:s13], [sflag:$0x1], $0x9E00, $0x38;
	[tilespmem:$0x13C00] =	vst v63  }
0x71: {  	_ =	swait.ge [sflag:s9], $0x9E00  }
0x72: {  	[sflag:s9] =	ssyncset.done $0x0  }
0x73: {  	[sflag:s9] =	ssyncadd.s32 $0xFFFF6200  }
0x74: {  	_ =	sfence.sel $0x180000  }
0x75: {  	[bflag:$0x0] =	sbarrier.arrive $0xFFFF  }
0x76: {  	p0 =	sne.s32 s0, $0x0;
	_ =	strace $0x90000047  }
0x77: {  	s0 =	sadd.s32 @!p0 $0x100000, s1;
	[bflag:$0x2] =	sbarrier.arrive $0xFFFF  }
0x78: {  	[sflag:s0] =	ssyncadd.tile.s32 @!p0 $0x1;
	_ =	shalt  }
.Lfunc_end2:
_tile_overlayer_lowered:
.L_overlay_start_2:
0x79: {  	(tag) =	ssettag $0x2  }
0x7a: {  	s0 =	rddreg [dreg:$0x0];
	s2 =	stileid.u32  }
0x7b: {  	s1 =	rddreg [dreg:$0x1];
	p0 =	sne.s32 s2, $0x0  }
0x7c: {  	s3 =	rddreg [dreg:$0x2];
	[bflag:$0x3] =	sbarrier.arrive $0xFFFF;
	s2 =	simm.s32 @!p0 $0x1C01  }
0x7d: {  	[timem:s3], [sflag:s2] =	dma.local @!p0 [hbm:s0], s1  }
0x7e: {  	s0 =	simm.s32 @!p0 $0x1  }
0x7f: {  	_ =	swait.ge @!p0 [sflag:s0], s1  }
0x80: {  	s1 =	ssub.s32 @!p0 $0x0, s1;
	[sflag:s0] =	ssyncset.done @!p0 $0x0  }
0x81: {  	[sflag:s0] =	ssyncadd.s32 @!p0 s1  }
0x82: {  	[bflag:$0x3] =	sbarrier.arrive $0xFFFF  }
0x83: {  	_ =	shalt  }

</sc_bundles>
